<compile_context>
chip_gen: v7x
topology: tpu7x:2x2x1
jax: 0.10.2.dev20260603
libtpu: 0.0.44.dev20260713+nightly
codegen_flags: <defaults>
</compile_context>

<pallas_src>
import functools

import jax
import jax.numpy as jnp
from jax import lax
from jax.experimental import pallas as pl
from jax.experimental.pallas import tpu as pltpu
from jax.experimental.pallas import tpu_sc as plsc

R = 66
TEMPERATURE = 1.0
THRESHOLD = 0.05

NUM_WORKERS = 32
CHUNK = 128
D_PAD = 128
NBUF = 6
DEPTH = 3


def _ls_body(lg_ref, out_ref):
    a = jax.nn.log_sigmoid(lg_ref[...] / TEMPERATURE)
    blk = a.shape[0]
    out_ref[...] = jnp.concatenate(
        [a, jnp.zeros((blk, D_PAD - R), jnp.float32)], axis=1)


def _tc_ls_table(logits, blk):
    n_rows, _ = logits.shape
    return pl.pallas_call(
        _ls_body,
        grid=(n_rows // blk,),
        in_specs=[pl.BlockSpec((blk, R), lambda i: (i, 0))],
        out_specs=pl.BlockSpec((blk, D_PAD), lambda i: (i, 0)),
        out_shape=jax.ShapeDtypeStruct((n_rows, D_PAD), jnp.float32),
    )(logits)


def _sc_gather(table, idx3d, chunks_per_worker):
    rows_per_worker = chunks_per_worker * CHUNK
    n_rows_out = NUM_WORKERS * rows_per_worker
    mesh = plsc.VectorSubcoreMesh(core_axis_name="c", subcore_axis_name="s")

    @functools.partial(
        pl.kernel,
        mesh=mesh,
        out_type=jax.ShapeDtypeStruct((n_rows_out, D_PAD), jnp.float32),
        scratch_types=[
            pltpu.VMEM((chunks_per_worker, CHUNK), jnp.int32),
            pltpu.VMEM((NBUF, CHUNK, D_PAD), jnp.float32),
            pltpu.SemaphoreType.DMA,
            pltpu.SemaphoreType.DMA,
        ],
    )
    def gather_kernel(table_hbm, idx_hbm, out_hbm, idx_v, bufs, sem_g, sem_o):
        wid = lax.axis_index("s") * 2 + lax.axis_index("c")
        pltpu.sync_copy(idx_hbm.at[wid], idx_v)
        base = wid * rows_per_worker
        gathers = [None] * chunks_per_worker
        outs = [None] * chunks_per_worker

        def drain(j):
            gathers[j].wait()
            outs[j] = pltpu.async_copy(
                bufs.at[j % NBUF],
                out_hbm.at[pl.ds(base + j * CHUNK, CHUNK)],
                sem_o)

        for j in range(chunks_per_worker):
            if j >= NBUF:
                outs[j - NBUF].wait()
            gathers[j] = pltpu.async_copy(
                table_hbm.at[idx_v.at[j]], bufs.at[j % NBUF], sem_g)
            if j >= DEPTH:
                drain(j - DEPTH)
        for j in range(max(0, chunks_per_worker - DEPTH), chunks_per_worker):
            drain(j)
        for j in range(max(0, chunks_per_worker - NBUF), chunks_per_worker):
            outs[j].wait()

    return gather_kernel(table, idx3d)


def _loss_body(a_ref, g_ref, bh_ref, cf_ref, out_ref, *, n_rows):
    i = pl.program_id(0)
    a = a_ref[...].astype(jnp.bfloat16)
    g = g_ref[...].astype(jnp.bfloat16)

    m = bh_ref.shape[1]
    body_idx = bh_ref[0:1, :]
    head_idx = bh_ref[1:2, :]
    col = lax.broadcasted_iota(jnp.int32, (D_PAD, m), 0)
    in_a = col < R
    w1 = ((in_a & (col == body_idx)).astype(jnp.bfloat16)
          - (in_a & (col == head_idx)).astype(jnp.bfloat16))
    in_g = (col >= 1) & (col < R)
    w2 = ((in_g & (col + (R - 1) == body_idx)).astype(jnp.bfloat16)
          - (in_g & (col + (R - 1) == head_idx)).astype(jnp.bfloat16))

    diff = (jnp.dot(a, w1, preferred_element_type=jnp.float32)
            + jnp.dot(g, w2, preferred_element_type=jnp.float32))
    bias = jnp.log(cf_ref[0:1, :]) - THRESHOLD
    t = jnp.maximum(diff + bias, 0.0)

    @pl.when(i == 0)
    def _():
        out_ref[0, 0] = 0.0

    out_ref[0, 0] += jnp.sum(t) / n_rows


def _tc_loss(table, gathered, bh_pad, cf_pad, n_rows, blk):
    m = bh_pad.shape[1]
    out = pl.pallas_call(
        functools.partial(_loss_body, n_rows=n_rows),
        grid=(n_rows // blk,),
        in_specs=[
            pl.BlockSpec((blk, D_PAD), lambda i: (i, 0)),
            pl.BlockSpec((blk, D_PAD), lambda i: (i, 0)),
            pl.BlockSpec((8, m), lambda i: (0, 0)),
            pl.BlockSpec((8, m), lambda i: (0, 0)),
        ],
        out_specs=pl.BlockSpec(memory_space=pltpu.SMEM),
        out_shape=jax.ShapeDtypeStruct((1, 1), jnp.float32),
    )(table, gathered, bh_pad, cf_pad)
    return out[0, 0]


def kernel(logits, anti_idx, body_head, confidence):
    n, r = logits.shape
    assert r == R
    m = body_head.shape[0]

    per_worker = -(-n // (NUM_WORKERS * CHUNK))
    n_pad_total = NUM_WORKERS * per_worker * CHUNK
    pad = jnp.arange(n_pad_total - n, dtype=jnp.int32)
    idx3d = jnp.concatenate([anti_idx.astype(jnp.int32), pad]).reshape(
        NUM_WORKERS, per_worker, CHUNK)

    table = _tc_ls_table(logits, blk=22320)
    gathered = _sc_gather(table, idx3d, per_worker)

    bh_pad = jnp.zeros((8, m), jnp.int32).at[:2, :].set(body_head.T)
    cf_pad = jnp.ones((8, m), jnp.float32).at[0:1, :].set(confidence.T)
    return _tc_loss(table, gathered, bh_pad, cf_pad, n, blk=8928)

# --- scband reference (transcript-rebuilt; emitter-appended) ---
"""Pipeline reference for scband-srr-79139067396740 (READ-ONLY COPY).

The authoritative reference and input builder live on the scoring server;
editing this copy changes nothing except your own understanding.
"""

import jax, jax.numpy as jnp
import numpy as np

R = 66              # relations including NA at column 0
M = 128             # number of pruned 1-hop rules
TEMPERATURE = 1.0
THRESHOLD = 0.05
COUNTS = np.arange(20, 84, 4)  # 16 docs, entity counts 20..80


def _build_anti_index():
    # hts per doc: all ordered pairs (h, t), h != t, in row-major order.
    # anti_idx[p] = global position of the reversed pair (t, h).
    anti = []
    offset = 0
    for n in COUNTS:
        pos = {}
        pairs = []
        p = 0
        for h in range(int(n)):
            for t in range(int(n)):
                if h != t:
                    pos[(h, t)] = p
                    pairs.append((h, t))
                    p += 1
        for (h, t) in pairs:
            anti.append(offset + pos[(t, h)])
        offset += p
    return np.asarray(anti, dtype=np.int32), offset


def setup_inputs(seed: int = 0) -> dict:
    key = jax.random.key(seed)
    anti_np, n_pairs = _build_anti_index()
    assert n_pairs == 44640
    k1, k2, k3, k4 = jax.random.split(key, 4)
    logits = jax.random.normal(k1, (n_pairs, R), dtype=jnp.float32)
    total_cols = 2 * R - 1  # original R cols + (R-1) inverse (anti) cols
    body = jax.random.randint(k2, (M,), 0, total_cols)
    head = jax.random.randint(k3, (M,), 0, total_cols)
    body_head = jnp.stack([body, head], axis=1).astype(jnp.int32)
    # mined confidences in [minC, 1) = [0.9, 1.0)
    confidence = 0.9 + 0.1 * jax.random.uniform(k4, (M, 1), dtype=jnp.float32)
    return {
        "logits": logits,
        "anti_idx": jnp.asarray(anti_np),
        "body_head": body_head,
        "confidence": confidence,
    }


def reference(logits, anti_idx, body_head, confidence):
    # transform_inverse_logits: gather logits of reversed pair (t, h), drop NA col
    logits_no_na = logits[:, 1:]
    logits_anti = jnp.take(logits_no_na, anti_idx, axis=0)
    full_logits = jnp.concatenate([logits, logits_anti], axis=-1)  # [N, 2R-1]
    # only_1_hop branch
    log_binary_prob = jax.nn.log_sigmoid(full_logits / TEMPERATURE)
    # cal_1_hop_loss
    log_body_prob = jnp.take(log_binary_prob, body_head[:, 0], axis=1)  # [N, M]
    log_head_prob = jnp.take(log_binary_prob, body_head[:, 1], axis=1)  # [N, M]
    body_minus_head = jax.nn.relu(
        log_body_prob + jnp.log(confidence.T) - log_head_prob - THRESHOLD
    )
    return jnp.sum(jnp.mean(body_minus_head, axis=0))

if __name__ == "__main__":
    import jax
    _d = setup_inputs()
    print(jax.jit(kernel)(*tuple(_d.values())))

</pallas_src>

<mosaic_0001>
#map = affine_map<(d0, d1) -> (0, 0)>
#map1 = affine_map<(d0, d1) -> (0, 0, 0)>
module attributes {stable_mosaic.version = 14 : i64} {
  func.func @gather_kernel(%arg0: i32, %arg1: i32, %arg2: memref<44640x128xf32, #tpu.memory_space<hbm>>, %arg3: memref<32x11x128xi32, #tpu.memory_space<hbm>>, %arg4: memref<45056x128xf32, #tpu.memory_space<hbm>>, %arg5: memref<11x128xi32, #tpu.memory_space<vmem>>, %arg6: memref<6x128x128xf32, #tpu.memory_space<vmem>>, %arg7: memref<!tpu.dma_semaphore, #tpu.memory_space<semaphore_mem>>, %arg8: memref<!tpu.dma_semaphore, #tpu.memory_space<semaphore_mem>>) attributes {dimension_semantics = [#tpu.dimension_semantics<core_parallel>, #tpu.dimension_semantics<subcore_parallel>], iteration_bounds = array<i64: 2, 16>, scalar_prefetch = 0 : i64, scratch_operands = 4 : i64, tpu.core_type = #tpu.core_type<sc_vector_subcore>, window_params = [{transform_indices = #map}, {transform_indices = #map1}, {transform_indices = #map}]} {
    %mul3A = arith.constant 2 : i32
    %mul3A_0 = arith.muli %arg1, %mul3A : i32
    %add3A = arith.addi %mul3A_0, %arg0 : i32
    "tpu.region"() ({
      %run_scoped3A = tpu.sem_alloc : memref<!tpu.dma_semaphore, #tpu.memory_space<semaphore_mem>>
      %dma_start3A_573 = arith.constant 0 : i32
      %dma_start3A_574 = arith.constant 0 : i32
      %dma_start3A_575 = tpu.memref_slice %arg3[%add3A, %dma_start3A_573, %dma_start3A_574] : memref<32x11x128xi32, #tpu.memory_space<hbm>> -> memref<1x11x128xi32, #tpu.memory_space<hbm>>
      %dma_start3A_576 = tpu.memref_squeeze %dma_start3A_575 : memref<1x11x128xi32, #tpu.memory_space<hbm>> -> memref<11x128xi32, #tpu.memory_space<hbm>>
      %dma_start3A_577 = arith.constant 0 : i32
      %dma_start3A_578 = arith.constant 0 : i32
      %dma_start3A_579 = tpu.memref_slice %arg3[%add3A, %dma_start3A_577, %dma_start3A_578] : memref<32x11x128xi32, #tpu.memory_space<hbm>> -> memref<1x11x128xi32, #tpu.memory_space<hbm>>
      %dma_start3A_580 = tpu.memref_squeeze %dma_start3A_579 : memref<1x11x128xi32, #tpu.memory_space<hbm>> -> memref<11x128xi32, #tpu.memory_space<hbm>>
      tpu.enqueue_dma source(%dma_start3A_580 : memref<11x128xi32, #tpu.memory_space<hbm>>) target(%arg5 : memref<11x128xi32, #tpu.memory_space<vmem>>) target_semaphore(%run_scoped3A : memref<!tpu.dma_semaphore, #tpu.memory_space<semaphore_mem>>)
      %dma_wait3A_581 = arith.constant 0 : i32
      %dma_wait3A_582 = arith.constant 0 : i32
      %dma_wait3A_583 = tpu.memref_slice %arg3[%add3A, %dma_wait3A_581, %dma_wait3A_582] : memref<32x11x128xi32, #tpu.memory_space<hbm>> -> memref<1x11x128xi32, #tpu.memory_space<hbm>>
      %dma_wait3A_584 = tpu.memref_squeeze %dma_wait3A_583 : memref<1x11x128xi32, #tpu.memory_space<hbm>> -> memref<11x128xi32, #tpu.memory_space<hbm>>
      %dma_wait3A_585 = arith.constant 0 : i32
      %dma_wait3A_586 = arith.constant 0 : i32
      %dma_wait3A_587 = tpu.memref_slice %arg3[%add3A, %dma_wait3A_585, %dma_wait3A_586] : memref<32x11x128xi32, #tpu.memory_space<hbm>> -> memref<1x11x128xi32, #tpu.memory_space<hbm>>
      %dma_wait3A_588 = tpu.memref_squeeze %dma_wait3A_587 : memref<1x11x128xi32, #tpu.memory_space<hbm>> -> memref<11x128xi32, #tpu.memory_space<hbm>>
      tpu.wait_dma2 semaphore(%run_scoped3A : memref<!tpu.dma_semaphore, #tpu.memory_space<semaphore_mem>>) src(%dma_wait3A_588 : memref<11x128xi32, #tpu.memory_space<hbm>>) dst(%arg5 : memref<11x128xi32, #tpu.memory_space<vmem>>)
      tpu.yield
    }) : () -> ()
    %mul3A_1 = arith.constant 1408 : i32
    %mul3A_2 = arith.muli %add3A, %mul3A_1 : i32
    %dma_start3A = arith.constant 0 : i32
    %dma_start3A_3 = arith.constant 0 : i32
    %dma_start3A_4 = arith.constant 0 : i32
    %dma_start3A_5 = arith.constant 0 : i32
    %dma_start3A_6 = tpu.memref_slice %arg6[%dma_start3A_3, %dma_start3A_4, %dma_start3A_5] : memref<6x128x128xf32, #tpu.memory_space<vmem>> -> memref<1x128x128xf32, #tpu.memory_space<vmem>>
    %dma_start3A_7 = tpu.memref_squeeze %dma_start3A_6 : memref<1x128x128xf32, #tpu.memory_space<vmem>> -> memref<128x128xf32, #tpu.memory_space<vmem>>
    %dma_start3A_8 = arith.constant 0 : i32
    %dma_start3A_9 = tpu.memref_slice %arg5[%dma_start3A, %dma_start3A_8] : memref<11x128xi32, #tpu.memory_space<vmem>> -> memref<1x128xi32, #tpu.memory_space<vmem>>
    %dma_start3A_10 = tpu.memref_squeeze %dma_start3A_9 : memref<1x128xi32, #tpu.memory_space<vmem>> -> memref<128xi32, #tpu.memory_space<vmem>>
    %dma_start3A_11 = arith.constant 0 : i32
    %dma_start3A_12 = arith.constant 0 : i32
    %dma_start3A_13 = tpu.memref_slice %arg2[%dma_start3A_11, %dma_start3A_12] : memref<44640x128xf32, #tpu.memory_space<hbm>> -> memref<44640x128xf32, #tpu.memory_space<hbm>>
    tpu.enqueue_indirect_dma source(%dma_start3A_13 : memref<44640x128xf32, #tpu.memory_space<hbm>>) target(%dma_start3A_7 : memref<128x128xf32, #tpu.memory_space<vmem>>) offsets(%dma_start3A_10 : memref<128xi32, #tpu.memory_space<vmem>>) semaphore(%arg7 : memref<!tpu.dma_semaphore, #tpu.memory_space<semaphore_mem>>)
    %dma_start3A_14 = arith.constant 1 : i32
    %dma_start3A_15 = arith.constant 1 : i32
    %dma_start3A_16 = arith.constant 0 : i32
    %dma_start3A_17 = arith.constant 0 : i32
    %dma_start3A_18 = tpu.memref_slice %arg6[%dma_start3A_15, %dma_start3A_16, %dma_start3A_17] : memref<6x128x128xf32, #tpu.memory_space<vmem>> -> memref<1x128x128xf32, #tpu.memory_space<vmem>>
    %dma_start3A_19 = tpu.memref_squeeze %dma_start3A_18 : memref<1x128x128xf32, #tpu.memory_space<vmem>> -> memref<128x128xf32, #tpu.memory_space<vmem>>
    %dma_start3A_20 = arith.constant 0 : i32
    %dma_start3A_21 = tpu.memref_slice %arg5[%dma_start3A_14, %dma_start3A_20] : memref<11x128xi32, #tpu.memory_space<vmem>> -> memref<1x128xi32, #tpu.memory_space<vmem>>
    %dma_start3A_22 = tpu.memref_squeeze %dma_start3A_21 : memref<1x128xi32, #tpu.memory_space<vmem>> -> memref<128xi32, #tpu.memory_space<vmem>>
    %dma_start3A_23 = arith.constant 0 : i32
    %dma_start3A_24 = arith.constant 0 : i32
    %dma_start3A_25 = tpu.memref_slice %arg2[%dma_start3A_23, %dma_start3A_24] : memref<44640x128xf32, #tpu.memory_space<hbm>> -> memref<44640x128xf32, #tpu.memory_space<hbm>>
    tpu.enqueue_indirect_dma source(%dma_start3A_25 : memref<44640x128xf32, #tpu.memory_space<hbm>>) target(%dma_start3A_19 : memref<128x128xf32, #tpu.memory_space<vmem>>) offsets(%dma_start3A_22 : memref<128xi32, #tpu.memory_space<vmem>>) semaphore(%arg7 : memref<!tpu.dma_semaphore, #tpu.memory_space<semaphore_mem>>)
    %dma_start3A_26 = arith.constant 2 : i32
    %dma_start3A_27 = arith.constant 2 : i32
    %dma_start3A_28 = arith.constant 0 : i32
    %dma_start3A_29 = arith.constant 0 : i32
    %dma_start3A_30 = tpu.memref_slice %arg6[%dma_start3A_27, %dma_start3A_28, %dma_start3A_29] : memref<6x128x128xf32, #tpu.memory_space<vmem>> -> memref<1x128x128xf32, #tpu.memory_space<vmem>>
    %dma_start3A_31 = tpu.memref_squeeze %dma_start3A_30 : memref<1x128x128xf32, #tpu.memory_space<vmem>> -> memref<128x128xf32, #tpu.memory_space<vmem>>
    %dma_start3A_32 = arith.constant 0 : i32
    %dma_start3A_33 = tpu.memref_slice %arg5[%dma_start3A_26, %dma_start3A_32] : memref<11x128xi32, #tpu.memory_space<vmem>> -> memref<1x128xi32, #tpu.memory_space<vmem>>
    %dma_start3A_34 = tpu.memref_squeeze %dma_start3A_33 : memref<1x128xi32, #tpu.memory_space<vmem>> -> memref<128xi32, #tpu.memory_space<vmem>>
    %dma_start3A_35 = arith.constant 0 : i32
    %dma_start3A_36 = arith.constant 0 : i32
    %dma_start3A_37 = tpu.memref_slice %arg2[%dma_start3A_35, %dma_start3A_36] : memref<44640x128xf32, #tpu.memory_space<hbm>> -> memref<44640x128xf32, #tpu.memory_space<hbm>>
    tpu.enqueue_indirect_dma source(%dma_start3A_37 : memref<44640x128xf32, #tpu.memory_space<hbm>>) target(%dma_start3A_31 : memref<128x128xf32, #tpu.memory_space<vmem>>) offsets(%dma_start3A_34 : memref<128xi32, #tpu.memory_space<vmem>>) semaphore(%arg7 : memref<!tpu.dma_semaphore, #tpu.memory_space<semaphore_mem>>)
    %dma_start3A_38 = arith.constant 3 : i32
    %dma_start3A_39 = arith.constant 3 : i32
    %dma_start3A_40 = arith.constant 0 : i32
    %dma_start3A_41 = arith.constant 0 : i32
    %dma_start3A_42 = tpu.memref_slice %arg6[%dma_start3A_39, %dma_start3A_40, %dma_start3A_41] : memref<6x128x128xf32, #tpu.memory_space<vmem>> -> memref<1x128x128xf32, #tpu.memory_space<vmem>>
    %dma_start3A_43 = tpu.memref_squeeze %dma_start3A_42 : memref<1x128x128xf32, #tpu.memory_space<vmem>> -> memref<128x128xf32, #tpu.memory_space<vmem>>
    %dma_start3A_44 = arith.constant 0 : i32
    %dma_start3A_45 = tpu.memref_slice %arg5[%dma_start3A_38, %dma_start3A_44] : memref<11x128xi32, #tpu.memory_space<vmem>> -> memref<1x128xi32, #tpu.memory_space<vmem>>
    %dma_start3A_46 = tpu.memref_squeeze %dma_start3A_45 : memref<1x128xi32, #tpu.memory_space<vmem>> -> memref<128xi32, #tpu.memory_space<vmem>>
    %dma_start3A_47 = arith.constant 0 : i32
    %dma_start3A_48 = arith.constant 0 : i32
    %dma_start3A_49 = tpu.memref_slice %arg2[%dma_start3A_47, %dma_start3A_48] : memref<44640x128xf32, #tpu.memory_space<hbm>> -> memref<44640x128xf32, #tpu.memory_space<hbm>>
    tpu.enqueue_indirect_dma source(%dma_start3A_49 : memref<44640x128xf32, #tpu.memory_space<hbm>>) target(%dma_start3A_43 : memref<128x128xf32, #tpu.memory_space<vmem>>) offsets(%dma_start3A_46 : memref<128xi32, #tpu.memory_space<vmem>>) semaphore(%arg7 : memref<!tpu.dma_semaphore, #tpu.memory_space<semaphore_mem>>)
    %dma_wait3A = arith.constant 0 : i32
    %dma_wait3A_50 = arith.constant 0 : i32
    %dma_wait3A_51 = arith.constant 0 : i32
    %dma_wait3A_52 = arith.constant 0 : i32
    %dma_wait3A_53 = tpu.memref_slice %arg6[%dma_wait3A_50, %dma_wait3A_51, %dma_wait3A_52] : memref<6x128x128xf32, #tpu.memory_space<vmem>> -> memref<1x128x128xf32, #tpu.memory_space<vmem>>
    %dma_wait3A_54 = tpu.memref_squeeze %dma_wait3A_53 : memref<1x128x128xf32, #tpu.memory_space<vmem>> -> memref<128x128xf32, #tpu.memory_space<vmem>>
    %dma_wait3A_55 = arith.constant 0 : i32
    %dma_wait3A_56 = tpu.memref_slice %arg5[%dma_wait3A, %dma_wait3A_55] : memref<11x128xi32, #tpu.memory_space<vmem>> -> memref<1x128xi32, #tpu.memory_space<vmem>>
    %dma_wait3A_57 = tpu.memref_squeeze %dma_wait3A_56 : memref<1x128xi32, #tpu.memory_space<vmem>> -> memref<128xi32, #tpu.memory_space<vmem>>
    %dma_wait3A_58 = arith.constant 0 : i32
    %dma_wait3A_59 = arith.constant 0 : i32
    %dma_wait3A_60 = tpu.memref_slice %arg2[%dma_wait3A_58, %dma_wait3A_59] : memref<44640x128xf32, #tpu.memory_space<hbm>> -> memref<44640x128xf32, #tpu.memory_space<hbm>>
    tpu.wait_indirect_dma semaphore(%arg7 : memref<!tpu.dma_semaphore, #tpu.memory_space<semaphore_mem>>) src(%dma_wait3A_60 : memref<44640x128xf32, #tpu.memory_space<hbm>>) dst(%dma_wait3A_54 : memref<128x128xf32, #tpu.memory_space<vmem>>)
    %add3A_61 = arith.constant 0 : i32
    %add3A_62 = arith.addi %mul3A_2, %add3A_61 : i32
    %dma_start3A_63 = arith.constant 0 : i32
    %dma_start3A_64 = arith.constant 0 : i32
    %dma_start3A_65 = arith.constant 0 : i32
    %dma_start3A_66 = tpu.memref_slice %arg6[%dma_start3A_63, %dma_start3A_64, %dma_start3A_65] : memref<6x128x128xf32, #tpu.memory_space<vmem>> -> memref<1x128x128xf32, #tpu.memory_space<vmem>>
    %dma_start3A_67 = tpu.memref_squeeze %dma_start3A_66 : memref<1x128x128xf32, #tpu.memory_space<vmem>> -> memref<128x128xf32, #tpu.memory_space<vmem>>
    %dma_start3A_68 = arith.constant 0 : i32
    %dma_start3A_69 = tpu.memref_slice %arg4[%add3A_62, %dma_start3A_68] : memref<45056x128xf32, #tpu.memory_space<hbm>> -> memref<128x128xf32, #tpu.memory_space<hbm>>
    %dma_start3A_70 = arith.constant 0 : i32
    %dma_start3A_71 = tpu.memref_slice %arg4[%add3A_62, %dma_start3A_70] : memref<45056x128xf32, #tpu.memory_space<hbm>> -> memref<128x128xf32, #tpu.memory_space<hbm>>
    %dma_start3A_72 = arith.constant 0 : i32
    %dma_start3A_73 = arith.constant 0 : i32
    %dma_start3A_74 = tpu.memref_slice %arg6[%dma_start3A_63, %dma_start3A_72, %dma_start3A_73] : memref<6x128x128xf32, #tpu.memory_space<vmem>> -> memref<1x128x128xf32, #tpu.memory_space<vmem>>
    %dma_start3A_75 = tpu.memref_squeeze %dma_start3A_74 : memref<1x128x128xf32, #tpu.memory_space<vmem>> -> memref<128x128xf32, #tpu.memory_space<vmem>>
    tpu.enqueue_dma source(%dma_start3A_75 : memref<128x128xf32, #tpu.memory_space<vmem>>) target(%dma_start3A_71 : memref<128x128xf32, #tpu.memory_space<hbm>>) target_semaphore(%arg8 : memref<!tpu.dma_semaphore, #tpu.memory_space<semaphore_mem>>)
    %dma_start3A_76 = arith.constant 4 : i32
    %dma_start3A_77 = arith.constant 4 : i32
    %dma_start3A_78 = arith.constant 0 : i32
    %dma_start3A_79 = arith.constant 0 : i32
    %dma_start3A_80 = tpu.memref_slice %arg6[%dma_start3A_77, %dma_start3A_78, %dma_start3A_79] : memref<6x128x128xf32, #tpu.memory_space<vmem>> -> memref<1x128x128xf32, #tpu.memory_space<vmem>>
    %dma_start3A_81 = tpu.memref_squeeze %dma_start3A_80 : memref<1x128x128xf32, #tpu.memory_space<vmem>> -> memref<128x128xf32, #tpu.memory_space<vmem>>
    %dma_start3A_82 = arith.constant 0 : i32
    %dma_start3A_83 = tpu.memref_slice %arg5[%dma_start3A_76, %dma_start3A_82] : memref<11x128xi32, #tpu.memory_space<vmem>> -> memref<1x128xi32, #tpu.memory_space<vmem>>
    %dma_start3A_84 = tpu.memref_squeeze %dma_start3A_83 : memref<1x128xi32, #tpu.memory_space<vmem>> -> memref<128xi32, #tpu.memory_space<vmem>>
    %dma_start3A_85 = arith.constant 0 : i32
    %dma_start3A_86 = arith.constant 0 : i32
    %dma_start3A_87 = tpu.memref_slice %arg2[%dma_start3A_85, %dma_start3A_86] : memref<44640x128xf32, #tpu.memory_space<hbm>> -> memref<44640x128xf32, #tpu.memory_space<hbm>>
    tpu.enqueue_indirect_dma source(%dma_start3A_87 : memref<44640x128xf32, #tpu.memory_space<hbm>>) target(%dma_start3A_81 : memref<128x128xf32, #tpu.memory_space<vmem>>) offsets(%dma_start3A_84 : memref<128xi32, #tpu.memory_space<vmem>>) semaphore(%arg7 : memref<!tpu.dma_semaphore, #tpu.memory_space<semaphore_mem>>)
    %dma_wait3A_88 = arith.constant 1 : i32
    %dma_wait3A_89 = arith.constant 1 : i32
    %dma_wait3A_90 = arith.constant 0 : i32
    %dma_wait3A_91 = arith.constant 0 : i32
    %dma_wait3A_92 = tpu.memref_slice %arg6[%dma_wait3A_89, %dma_wait3A_90, %dma_wait3A_91] : memref<6x128x128xf32, #tpu.memory_space<vmem>> -> memref<1x128x128xf32, #tpu.memory_space<vmem>>
    %dma_wait3A_93 = tpu.memref_squeeze %dma_wait3A_92 : memref<1x128x128xf32, #tpu.memory_space<vmem>> -> memref<128x128xf32, #tpu.memory_space<vmem>>
    %dma_wait3A_94 = arith.constant 0 : i32
    %dma_wait3A_95 = tpu.memref_slice %arg5[%dma_wait3A_88, %dma_wait3A_94] : memref<11x128xi32, #tpu.memory_space<vmem>> -> memref<1x128xi32, #tpu.memory_space<vmem>>
    %dma_wait3A_96 = tpu.memref_squeeze %dma_wait3A_95 : memref<1x128xi32, #tpu.memory_space<vmem>> -> memref<128xi32, #tpu.memory_space<vmem>>
    %dma_wait3A_97 = arith.constant 0 : i32
    %dma_wait3A_98 = arith.constant 0 : i32
    %dma_wait3A_99 = tpu.memref_slice %arg2[%dma_wait3A_97, %dma_wait3A_98] : memref<44640x128xf32, #tpu.memory_space<hbm>> -> memref<44640x128xf32, #tpu.memory_space<hbm>>
    tpu.wait_indirect_dma semaphore(%arg7 : memref<!tpu.dma_semaphore, #tpu.memory_space<semaphore_mem>>) src(%dma_wait3A_99 : memref<44640x128xf32, #tpu.memory_space<hbm>>) dst(%dma_wait3A_93 : memref<128x128xf32, #tpu.memory_space<vmem>>)
    %add3A_100 = arith.constant 128 : i32
    %add3A_101 = arith.addi %mul3A_2, %add3A_100 : i32
    %dma_start3A_102 = arith.constant 1 : i32
    %dma_start3A_103 = arith.constant 0 : i32
    %dma_start3A_104 = arith.constant 0 : i32
    %dma_start3A_105 = tpu.memref_slice %arg6[%dma_start3A_102, %dma_start3A_103, %dma_start3A_104] : memref<6x128x128xf32, #tpu.memory_space<vmem>> -> memref<1x128x128xf32, #tpu.memory_space<vmem>>
    %dma_start3A_106 = tpu.memref_squeeze %dma_start3A_105 : memref<1x128x128xf32, #tpu.memory_space<vmem>> -> memref<128x128xf32, #tpu.memory_space<vmem>>
    %dma_start3A_107 = arith.constant 0 : i32
    %dma_start3A_108 = tpu.memref_slice %arg4[%add3A_101, %dma_start3A_107] : memref<45056x128xf32, #tpu.memory_space<hbm>> -> memref<128x128xf32, #tpu.memory_space<hbm>>
    %dma_start3A_109 = arith.constant 0 : i32
    %dma_start3A_110 = tpu.memref_slice %arg4[%add3A_101, %dma_start3A_109] : memref<45056x128xf32, #tpu.memory_space<hbm>> -> memref<128x128xf32, #tpu.memory_space<hbm>>
    %dma_start3A_111 = arith.constant 0 : i32
    %dma_start3A_112 = arith.constant 0 : i32
    %dma_start3A_113 = tpu.memref_slice %arg6[%dma_start3A_102, %dma_start3A_111, %dma_start3A_112] : memref<6x128x128xf32, #tpu.memory_space<vmem>> -> memref<1x128x128xf32, #tpu.memory_space<vmem>>
    %dma_start3A_114 = tpu.memref_squeeze %dma_start3A_113 : memref<1x128x128xf32, #tpu.memory_space<vmem>> -> memref<128x128xf32, #tpu.memory_space<vmem>>
    tpu.enqueue_dma source(%dma_start3A_114 : memref<128x128xf32, #tpu.memory_space<vmem>>) target(%dma_start3A_110 : memref<128x128xf32, #tpu.memory_space<hbm>>) target_semaphore(%arg8 : memref<!tpu.dma_semaphore, #tpu.memory_space<semaphore_mem>>)
    %dma_start3A_115 = arith.constant 5 : i32
    %dma_start3A_116 = arith.constant 5 : i32
    %dma_start3A_117 = arith.constant 0 : i32
    %dma_start3A_118 = arith.constant 0 : i32
    %dma_start3A_119 = tpu.memref_slice %arg6[%dma_start3A_116, %dma_start3A_117, %dma_start3A_118] : memref<6x128x128xf32, #tpu.memory_space<vmem>> -> memref<1x128x128xf32, #tpu.memory_space<vmem>>
    %dma_start3A_120 = tpu.memref_squeeze %dma_start3A_119 : memref<1x128x128xf32, #tpu.memory_space<vmem>> -> memref<128x128xf32, #tpu.memory_space<vmem>>
    %dma_start3A_121 = arith.constant 0 : i32
    %dma_start3A_122 = tpu.memref_slice %arg5[%dma_start3A_115, %dma_start3A_121] : memref<11x128xi32, #tpu.memory_space<vmem>> -> memref<1x128xi32, #tpu.memory_space<vmem>>
    %dma_start3A_123 = tpu.memref_squeeze %dma_start3A_122 : memref<1x128xi32, #tpu.memory_space<vmem>> -> memref<128xi32, #tpu.memory_space<vmem>>
    %dma_start3A_124 = arith.constant 0 : i32
    %dma_start3A_125 = arith.constant 0 : i32
    %dma_start3A_126 = tpu.memref_slice %arg2[%dma_start3A_124, %dma_start3A_125] : memref<44640x128xf32, #tpu.memory_space<hbm>> -> memref<44640x128xf32, #tpu.memory_space<hbm>>
    tpu.enqueue_indirect_dma source(%dma_start3A_126 : memref<44640x128xf32, #tpu.memory_space<hbm>>) target(%dma_start3A_120 : memref<128x128xf32, #tpu.memory_space<vmem>>) offsets(%dma_start3A_123 : memref<128xi32, #tpu.memory_space<vmem>>) semaphore(%arg7 : memref<!tpu.dma_semaphore, #tpu.memory_space<semaphore_mem>>)
    %dma_wait3A_127 = arith.constant 2 : i32
    %dma_wait3A_128 = arith.constant 2 : i32
    %dma_wait3A_129 = arith.constant 0 : i32
    %dma_wait3A_130 = arith.constant 0 : i32
    %dma_wait3A_131 = tpu.memref_slice %arg6[%dma_wait3A_128, %dma_wait3A_129, %dma_wait3A_130] : memref<6x128x128xf32, #tpu.memory_space<vmem>> -> memref<1x128x128xf32, #tpu.memory_space<vmem>>
    %dma_wait3A_132 = tpu.memref_squeeze %dma_wait3A_131 : memref<1x128x128xf32, #tpu.memory_space<vmem>> -> memref<128x128xf32, #tpu.memory_space<vmem>>
    %dma_wait3A_133 = arith.constant 0 : i32
    %dma_wait3A_134 = tpu.memref_slice %arg5[%dma_wait3A_127, %dma_wait3A_133] : memref<11x128xi32, #tpu.memory_space<vmem>> -> memref<1x128xi32, #tpu.memory_space<vmem>>
    %dma_wait3A_135 = tpu.memref_squeeze %dma_wait3A_134 : memref<1x128xi32, #tpu.memory_space<vmem>> -> memref<128xi32, #tpu.memory_space<vmem>>
    %dma_wait3A_136 = arith.constant 0 : i32
    %dma_wait3A_137 = arith.constant 0 : i32
    %dma_wait3A_138 = tpu.memref_slice %arg2[%dma_wait3A_136, %dma_wait3A_137] : memref<44640x128xf32, #tpu.memory_space<hbm>> -> memref<44640x128xf32, #tpu.memory_space<hbm>>
    tpu.wait_indirect_dma semaphore(%arg7 : memref<!tpu.dma_semaphore, #tpu.memory_space<semaphore_mem>>) src(%dma_wait3A_138 : memref<44640x128xf32, #tpu.memory_space<hbm>>) dst(%dma_wait3A_132 : memref<128x128xf32, #tpu.memory_space<vmem>>)
    %add3A_139 = arith.constant 256 : i32
    %add3A_140 = arith.addi %mul3A_2, %add3A_139 : i32
    %dma_start3A_141 = arith.constant 2 : i32
    %dma_start3A_142 = arith.constant 0 : i32
    %dma_start3A_143 = arith.constant 0 : i32
    %dma_start3A_144 = tpu.memref_slice %arg6[%dma_start3A_141, %dma_start3A_142, %dma_start3A_143] : memref<6x128x128xf32, #tpu.memory_space<vmem>> -> memref<1x128x128xf32, #tpu.memory_space<vmem>>
    %dma_start3A_145 = tpu.memref_squeeze %dma_start3A_144 : memref<1x128x128xf32, #tpu.memory_space<vmem>> -> memref<128x128xf32, #tpu.memory_space<vmem>>
    %dma_start3A_146 = arith.constant 0 : i32
    %dma_start3A_147 = tpu.memref_slice %arg4[%add3A_140, %dma_start3A_146] : memref<45056x128xf32, #tpu.memory_space<hbm>> -> memref<128x128xf32, #tpu.memory_space<hbm>>
    %dma_start3A_148 = arith.constant 0 : i32
    %dma_start3A_149 = tpu.memref_slice %arg4[%add3A_140, %dma_start3A_148] : memref<45056x128xf32, #tpu.memory_space<hbm>> -> memref<128x128xf32, #tpu.memory_space<hbm>>
    %dma_start3A_150 = arith.constant 0 : i32
    %dma_start3A_151 = arith.constant 0 : i32
    %dma_start3A_152 = tpu.memref_slice %arg6[%dma_start3A_141, %dma_start3A_150, %dma_start3A_151] : memref<6x128x128xf32, #tpu.memory_space<vmem>> -> memref<1x128x128xf32, #tpu.memory_space<vmem>>
    %dma_start3A_153 = tpu.memref_squeeze %dma_start3A_152 : memref<1x128x128xf32, #tpu.memory_space<vmem>> -> memref<128x128xf32, #tpu.memory_space<vmem>>
    tpu.enqueue_dma source(%dma_start3A_153 : memref<128x128xf32, #tpu.memory_space<vmem>>) target(%dma_start3A_149 : memref<128x128xf32, #tpu.memory_space<hbm>>) target_semaphore(%arg8 : memref<!tpu.dma_semaphore, #tpu.memory_space<semaphore_mem>>)
    %dma_wait3A_154 = arith.constant 0 : i32
    %dma_wait3A_155 = arith.constant 0 : i32
    %dma_wait3A_156 = arith.constant 0 : i32
    %dma_wait3A_157 = tpu.memref_slice %arg6[%dma_wait3A_154, %dma_wait3A_155, %dma_wait3A_156] : memref<6x128x128xf32, #tpu.memory_space<vmem>> -> memref<1x128x128xf32, #tpu.memory_space<vmem>>
    %dma_wait3A_158 = tpu.memref_squeeze %dma_wait3A_157 : memref<1x128x128xf32, #tpu.memory_space<vmem>> -> memref<128x128xf32, #tpu.memory_space<vmem>>
    %dma_wait3A_159 = arith.constant 0 : i32
    %dma_wait3A_160 = tpu.memref_slice %arg4[%add3A_62, %dma_wait3A_159] : memref<45056x128xf32, #tpu.memory_space<hbm>> -> memref<128x128xf32, #tpu.memory_space<hbm>>
    %dma_wait3A_161 = arith.constant 0 : i32
    %dma_wait3A_162 = tpu.memref_slice %arg4[%add3A_62, %dma_wait3A_161] : memref<45056x128xf32, #tpu.memory_space<hbm>> -> memref<128x128xf32, #tpu.memory_space<hbm>>
    %dma_wait3A_163 = arith.constant 0 : i32
    %dma_wait3A_164 = arith.constant 0 : i32
    %dma_wait3A_165 = tpu.memref_slice %arg6[%dma_wait3A_154, %dma_wait3A_163, %dma_wait3A_164] : memref<6x128x128xf32, #tpu.memory_space<vmem>> -> memref<1x128x128xf32, #tpu.memory_space<vmem>>
    %dma_wait3A_166 = tpu.memref_squeeze %dma_wait3A_165 : memref<1x128x128xf32, #tpu.memory_space<vmem>> -> memref<128x128xf32, #tpu.memory_space<vmem>>
    tpu.wait_dma2 semaphore(%arg8 : memref<!tpu.dma_semaphore, #tpu.memory_space<semaphore_mem>>) src(%dma_wait3A_166 : memref<128x128xf32, #tpu.memory_space<vmem>>) dst(%dma_wait3A_162 : memref<128x128xf32, #tpu.memory_space<hbm>>)
    %dma_start3A_167 = arith.constant 6 : i32
    %dma_start3A_168 = arith.constant 0 : i32
    %dma_start3A_169 = arith.constant 0 : i32
    %dma_start3A_170 = arith.constant 0 : i32
    %dma_start3A_171 = tpu.memref_slice %arg6[%dma_start3A_168, %dma_start3A_169, %dma_start3A_170] : memref<6x128x128xf32, #tpu.memory_space<vmem>> -> memref<1x128x128xf32, #tpu.memory_space<vmem>>
    %dma_start3A_172 = tpu.memref_squeeze %dma_start3A_171 : memref<1x128x128xf32, #tpu.memory_space<vmem>> -> memref<128x128xf32, #tpu.memory_space<vmem>>
    %dma_start3A_173 = arith.constant 0 : i32
    %dma_start3A_174 = tpu.memref_slice %arg5[%dma_start3A_167, %dma_start3A_173] : memref<11x128xi32, #tpu.memory_space<vmem>> -> memref<1x128xi32, #tpu.memory_space<vmem>>
    %dma_start3A_175 = tpu.memref_squeeze %dma_start3A_174 : memref<1x128xi32, #tpu.memory_space<vmem>> -> memref<128xi32, #tpu.memory_space<vmem>>
    %dma_start3A_176 = arith.constant 0 : i32
    %dma_start3A_177 = arith.constant 0 : i32
    %dma_start3A_178 = tpu.memref_slice %arg2[%dma_start3A_176, %dma_start3A_177] : memref<44640x128xf32, #tpu.memory_space<hbm>> -> memref<44640x128xf32, #tpu.memory_space<hbm>>
    tpu.enqueue_indirect_dma source(%dma_start3A_178 : memref<44640x128xf32, #tpu.memory_space<hbm>>) target(%dma_start3A_172 : memref<128x128xf32, #tpu.memory_space<vmem>>) offsets(%dma_start3A_175 : memref<128xi32, #tpu.memory_space<vmem>>) semaphore(%arg7 : memref<!tpu.dma_semaphore, #tpu.memory_space<semaphore_mem>>)
    %dma_wait3A_179 = arith.constant 3 : i32
    %dma_wait3A_180 = arith.constant 3 : i32
    %dma_wait3A_181 = arith.constant 0 : i32
    %dma_wait3A_182 = arith.constant 0 : i32
    %dma_wait3A_183 = tpu.memref_slice %arg6[%dma_wait3A_180, %dma_wait3A_181, %dma_wait3A_182] : memref<6x128x128xf32, #tpu.memory_space<vmem>> -> memref<1x128x128xf32, #tpu.memory_space<vmem>>
    %dma_wait3A_184 = tpu.memref_squeeze %dma_wait3A_183 : memref<1x128x128xf32, #tpu.memory_space<vmem>> -> memref<128x128xf32, #tpu.memory_space<vmem>>
    %dma_wait3A_185 = arith.constant 0 : i32
    %dma_wait3A_186 = tpu.memref_slice %arg5[%dma_wait3A_179, %dma_wait3A_185] : memref<11x128xi32, #tpu.memory_space<vmem>> -> memref<1x128xi32, #tpu.memory_space<vmem>>
    %dma_wait3A_187 = tpu.memref_squeeze %dma_wait3A_186 : memref<1x128xi32, #tpu.memory_space<vmem>> -> memref<128xi32, #tpu.memory_space<vmem>>
    %dma_wait3A_188 = arith.constant 0 : i32
    %dma_wait3A_189 = arith.constant 0 : i32
    %dma_wait3A_190 = tpu.memref_slice %arg2[%dma_wait3A_188, %dma_wait3A_189] : memref<44640x128xf32, #tpu.memory_space<hbm>> -> memref<44640x128xf32, #tpu.memory_space<hbm>>
    tpu.wait_indirect_dma semaphore(%arg7 : memref<!tpu.dma_semaphore, #tpu.memory_space<semaphore_mem>>) src(%dma_wait3A_190 : memref<44640x128xf32, #tpu.memory_space<hbm>>) dst(%dma_wait3A_184 : memref<128x128xf32, #tpu.memory_space<vmem>>)
    %add3A_191 = arith.constant 384 : i32
    %add3A_192 = arith.addi %mul3A_2, %add3A_191 : i32
    %dma_start3A_193 = arith.constant 3 : i32
    %dma_start3A_194 = arith.constant 0 : i32
    %dma_start3A_195 = arith.constant 0 : i32
    %dma_start3A_196 = tpu.memref_slice %arg6[%dma_start3A_193, %dma_start3A_194, %dma_start3A_195] : memref<6x128x128xf32, #tpu.memory_space<vmem>> -> memref<1x128x128xf32, #tpu.memory_space<vmem>>
    %dma_start3A_197 = tpu.memref_squeeze %dma_start3A_196 : memref<1x128x128xf32, #tpu.memory_space<vmem>> -> memref<128x128xf32, #tpu.memory_space<vmem>>
    %dma_start3A_198 = arith.constant 0 : i32
    %dma_start3A_199 = tpu.memref_slice %arg4[%add3A_192, %dma_start3A_198] : memref<45056x128xf32, #tpu.memory_space<hbm>> -> memref<128x128xf32, #tpu.memory_space<hbm>>
    %dma_start3A_200 = arith.constant 0 : i32
    %dma_start3A_201 = tpu.memref_slice %arg4[%add3A_192, %dma_start3A_200] : memref<45056x128xf32, #tpu.memory_space<hbm>> -> memref<128x128xf32, #tpu.memory_space<hbm>>
    %dma_start3A_202 = arith.constant 0 : i32
    %dma_start3A_203 = arith.constant 0 : i32
    %dma_start3A_204 = tpu.memref_slice %arg6[%dma_start3A_193, %dma_start3A_202, %dma_start3A_203] : memref<6x128x128xf32, #tpu.memory_space<vmem>> -> memref<1x128x128xf32, #tpu.memory_space<vmem>>
    %dma_start3A_205 = tpu.memref_squeeze %dma_start3A_204 : memref<1x128x128xf32, #tpu.memory_space<vmem>> -> memref<128x128xf32, #tpu.memory_space<vmem>>
    tpu.enqueue_dma source(%dma_start3A_205 : memref<128x128xf32, #tpu.memory_space<vmem>>) target(%dma_start3A_201 : memref<128x128xf32, #tpu.memory_space<hbm>>) target_semaphore(%arg8 : memref<!tpu.dma_semaphore, #tpu.memory_space<semaphore_mem>>)
    %dma_wait3A_206 = arith.constant 1 : i32
    %dma_wait3A_207 = arith.constant 0 : i32
    %dma_wait3A_208 = arith.constant 0 : i32
    %dma_wait3A_209 = tpu.memref_slice %arg6[%dma_wait3A_206, %dma_wait3A_207, %dma_wait3A_208] : memref<6x128x128xf32, #tpu.memory_space<vmem>> -> memref<1x128x128xf32, #tpu.memory_space<vmem>>
    %dma_wait3A_210 = tpu.memref_squeeze %dma_wait3A_209 : memref<1x128x128xf32, #tpu.memory_space<vmem>> -> memref<128x128xf32, #tpu.memory_space<vmem>>
    %dma_wait3A_211 = arith.constant 0 : i32
    %dma_wait3A_212 = tpu.memref_slice %arg4[%add3A_101, %dma_wait3A_211] : memref<45056x128xf32, #tpu.memory_space<hbm>> -> memref<128x128xf32, #tpu.memory_space<hbm>>
    %dma_wait3A_213 = arith.constant 0 : i32
    %dma_wait3A_214 = tpu.memref_slice %arg4[%add3A_101, %dma_wait3A_213] : memref<45056x128xf32, #tpu.memory_space<hbm>> -> memref<128x128xf32, #tpu.memory_space<hbm>>
    %dma_wait3A_215 = arith.constant 0 : i32
    %dma_wait3A_216 = arith.constant 0 : i32
    %dma_wait3A_217 = tpu.memref_slice %arg6[%dma_wait3A_206, %dma_wait3A_215, %dma_wait3A_216] : memref<6x128x128xf32, #tpu.memory_space<vmem>> -> memref<1x128x128xf32, #tpu.memory_space<vmem>>
    %dma_wait3A_218 = tpu.memref_squeeze %dma_wait3A_217 : memref<1x128x128xf32, #tpu.memory_space<vmem>> -> memref<128x128xf32, #tpu.memory_space<vmem>>
    tpu.wait_dma2 semaphore(%arg8 : memref<!tpu.dma_semaphore, #tpu.memory_space<semaphore_mem>>) src(%dma_wait3A_218 : memref<128x128xf32, #tpu.memory_space<vmem>>) dst(%dma_wait3A_214 : memref<128x128xf32, #tpu.memory_space<hbm>>)
    %dma_start3A_219 = arith.constant 7 : i32
    %dma_start3A_220 = arith.constant 1 : i32
    %dma_start3A_221 = arith.constant 0 : i32
    %dma_start3A_222 = arith.constant 0 : i32
    %dma_start3A_223 = tpu.memref_slice %arg6[%dma_start3A_220, %dma_start3A_221, %dma_start3A_222] : memref<6x128x128xf32, #tpu.memory_space<vmem>> -> memref<1x128x128xf32, #tpu.memory_space<vmem>>
    %dma_start3A_224 = tpu.memref_squeeze %dma_start3A_223 : memref<1x128x128xf32, #tpu.memory_space<vmem>> -> memref<128x128xf32, #tpu.memory_space<vmem>>
    %dma_start3A_225 = arith.constant 0 : i32
    %dma_start3A_226 = tpu.memref_slice %arg5[%dma_start3A_219, %dma_start3A_225] : memref<11x128xi32, #tpu.memory_space<vmem>> -> memref<1x128xi32, #tpu.memory_space<vmem>>
    %dma_start3A_227 = tpu.memref_squeeze %dma_start3A_226 : memref<1x128xi32, #tpu.memory_space<vmem>> -> memref<128xi32, #tpu.memory_space<vmem>>
    %dma_start3A_228 = arith.constant 0 : i32
    %dma_start3A_229 = arith.constant 0 : i32
    %dma_start3A_230 = tpu.memref_slice %arg2[%dma_start3A_228, %dma_start3A_229] : memref<44640x128xf32, #tpu.memory_space<hbm>> -> memref<44640x128xf32, #tpu.memory_space<hbm>>
    tpu.enqueue_indirect_dma source(%dma_start3A_230 : memref<44640x128xf32, #tpu.memory_space<hbm>>) target(%dma_start3A_224 : memref<128x128xf32, #tpu.memory_space<vmem>>) offsets(%dma_start3A_227 : memref<128xi32, #tpu.memory_space<vmem>>) semaphore(%arg7 : memref<!tpu.dma_semaphore, #tpu.memory_space<semaphore_mem>>)
    %dma_wait3A_231 = arith.constant 4 : i32
    %dma_wait3A_232 = arith.constant 4 : i32
    %dma_wait3A_233 = arith.constant 0 : i32
    %dma_wait3A_234 = arith.constant 0 : i32
    %dma_wait3A_235 = tpu.memref_slice %arg6[%dma_wait3A_232, %dma_wait3A_233, %dma_wait3A_234] : memref<6x128x128xf32, #tpu.memory_space<vmem>> -> memref<1x128x128xf32, #tpu.memory_space<vmem>>
    %dma_wait3A_236 = tpu.memref_squeeze %dma_wait3A_235 : memref<1x128x128xf32, #tpu.memory_space<vmem>> -> memref<128x128xf32, #tpu.memory_space<vmem>>
    %dma_wait3A_237 = arith.constant 0 : i32
    %dma_wait3A_238 = tpu.memref_slice %arg5[%dma_wait3A_231, %dma_wait3A_237] : memref<11x128xi32, #tpu.memory_space<vmem>> -> memref<1x128xi32, #tpu.memory_space<vmem>>
    %dma_wait3A_239 = tpu.memref_squeeze %dma_wait3A_238 : memref<1x128xi32, #tpu.memory_space<vmem>> -> memref<128xi32, #tpu.memory_space<vmem>>
    %dma_wait3A_240 = arith.constant 0 : i32
    %dma_wait3A_241 = arith.constant 0 : i32
    %dma_wait3A_242 = tpu.memref_slice %arg2[%dma_wait3A_240, %dma_wait3A_241] : memref<44640x128xf32, #tpu.memory_space<hbm>> -> memref<44640x128xf32, #tpu.memory_space<hbm>>
    tpu.wait_indirect_dma semaphore(%arg7 : memref<!tpu.dma_semaphore, #tpu.memory_space<semaphore_mem>>) src(%dma_wait3A_242 : memref<44640x128xf32, #tpu.memory_space<hbm>>) dst(%dma_wait3A_236 : memref<128x128xf32, #tpu.memory_space<vmem>>)
    %add3A_243 = arith.constant 512 : i32
    %add3A_244 = arith.addi %mul3A_2, %add3A_243 : i32
    %dma_start3A_245 = arith.constant 4 : i32
    %dma_start3A_246 = arith.constant 0 : i32
    %dma_start3A_247 = arith.constant 0 : i32
    %dma_start3A_248 = tpu.memref_slice %arg6[%dma_start3A_245, %dma_start3A_246, %dma_start3A_247] : memref<6x128x128xf32, #tpu.memory_space<vmem>> -> memref<1x128x128xf32, #tpu.memory_space<vmem>>
    %dma_start3A_249 = tpu.memref_squeeze %dma_start3A_248 : memref<1x128x128xf32, #tpu.memory_space<vmem>> -> memref<128x128xf32, #tpu.memory_space<vmem>>
    %dma_start3A_250 = arith.constant 0 : i32
    %dma_start3A_251 = tpu.memref_slice %arg4[%add3A_244, %dma_start3A_250] : memref<45056x128xf32, #tpu.memory_space<hbm>> -> memref<128x128xf32, #tpu.memory_space<hbm>>
    %dma_start3A_252 = arith.constant 0 : i32
    %dma_start3A_253 = tpu.memref_slice %arg4[%add3A_244, %dma_start3A_252] : memref<45056x128xf32, #tpu.memory_space<hbm>> -> memref<128x128xf32, #tpu.memory_space<hbm>>
    %dma_start3A_254 = arith.constant 0 : i32
    %dma_start3A_255 = arith.constant 0 : i32
    %dma_start3A_256 = tpu.memref_slice %arg6[%dma_start3A_245, %dma_start3A_254, %dma_start3A_255] : memref<6x128x128xf32, #tpu.memory_space<vmem>> -> memref<1x128x128xf32, #tpu.memory_space<vmem>>
    %dma_start3A_257 = tpu.memref_squeeze %dma_start3A_256 : memref<1x128x128xf32, #tpu.memory_space<vmem>> -> memref<128x128xf32, #tpu.memory_space<vmem>>
    tpu.enqueue_dma source(%dma_start3A_257 : memref<128x128xf32, #tpu.memory_space<vmem>>) target(%dma_start3A_253 : memref<128x128xf32, #tpu.memory_space<hbm>>) target_semaphore(%arg8 : memref<!tpu.dma_semaphore, #tpu.memory_space<semaphore_mem>>)
    %dma_wait3A_258 = arith.constant 2 : i32
    %dma_wait3A_259 = arith.constant 0 : i32
    %dma_wait3A_260 = arith.constant 0 : i32
    %dma_wait3A_261 = tpu.memref_slice %arg6[%dma_wait3A_258, %dma_wait3A_259, %dma_wait3A_260] : memref<6x128x128xf32, #tpu.memory_space<vmem>> -> memref<1x128x128xf32, #tpu.memory_space<vmem>>
    %dma_wait3A_262 = tpu.memref_squeeze %dma_wait3A_261 : memref<1x128x128xf32, #tpu.memory_space<vmem>> -> memref<128x128xf32, #tpu.memory_space<vmem>>
    %dma_wait3A_263 = arith.constant 0 : i32
    %dma_wait3A_264 = tpu.memref_slice %arg4[%add3A_140, %dma_wait3A_263] : memref<45056x128xf32, #tpu.memory_space<hbm>> -> memref<128x128xf32, #tpu.memory_space<hbm>>
    %dma_wait3A_265 = arith.constant 0 : i32
    %dma_wait3A_266 = tpu.memref_slice %arg4[%add3A_140, %dma_wait3A_265] : memref<45056x128xf32, #tpu.memory_space<hbm>> -> memref<128x128xf32, #tpu.memory_space<hbm>>
    %dma_wait3A_267 = arith.constant 0 : i32
    %dma_wait3A_268 = arith.constant 0 : i32
    %dma_wait3A_269 = tpu.memref_slice %arg6[%dma_wait3A_258, %dma_wait3A_267, %dma_wait3A_268] : memref<6x128x128xf32, #tpu.memory_space<vmem>> -> memref<1x128x128xf32, #tpu.memory_space<vmem>>
    %dma_wait3A_270 = tpu.memref_squeeze %dma_wait3A_269 : memref<1x128x128xf32, #tpu.memory_space<vmem>> -> memref<128x128xf32, #tpu.memory_space<vmem>>
    tpu.wait_dma2 semaphore(%arg8 : memref<!tpu.dma_semaphore, #tpu.memory_space<semaphore_mem>>) src(%dma_wait3A_270 : memref<128x128xf32, #tpu.memory_space<vmem>>) dst(%dma_wait3A_266 : memref<128x128xf32, #tpu.memory_space<hbm>>)
    %dma_start3A_271 = arith.constant 8 : i32
    %dma_start3A_272 = arith.constant 2 : i32
    %dma_start3A_273 = arith.constant 0 : i32
    %dma_start3A_274 = arith.constant 0 : i32
    %dma_start3A_275 = tpu.memref_slice %arg6[%dma_start3A_272, %dma_start3A_273, %dma_start3A_274] : memref<6x128x128xf32, #tpu.memory_space<vmem>> -> memref<1x128x128xf32, #tpu.memory_space<vmem>>
    %dma_start3A_276 = tpu.memref_squeeze %dma_start3A_275 : memref<1x128x128xf32, #tpu.memory_space<vmem>> -> memref<128x128xf32, #tpu.memory_space<vmem>>
    %dma_start3A_277 = arith.constant 0 : i32
    %dma_start3A_278 = tpu.memref_slice %arg5[%dma_start3A_271, %dma_start3A_277] : memref<11x128xi32, #tpu.memory_space<vmem>> -> memref<1x128xi32, #tpu.memory_space<vmem>>
    %dma_start3A_279 = tpu.memref_squeeze %dma_start3A_278 : memref<1x128xi32, #tpu.memory_space<vmem>> -> memref<128xi32, #tpu.memory_space<vmem>>
    %dma_start3A_280 = arith.constant 0 : i32
    %dma_start3A_281 = arith.constant 0 : i32
    %dma_start3A_282 = tpu.memref_slice %arg2[%dma_start3A_280, %dma_start3A_281] : memref<44640x128xf32, #tpu.memory_space<hbm>> -> memref<44640x128xf32, #tpu.memory_space<hbm>>
    tpu.enqueue_indirect_dma source(%dma_start3A_282 : memref<44640x128xf32, #tpu.memory_space<hbm>>) target(%dma_start3A_276 : memref<128x128xf32, #tpu.memory_space<vmem>>) offsets(%dma_start3A_279 : memref<128xi32, #tpu.memory_space<vmem>>) semaphore(%arg7 : memref<!tpu.dma_semaphore, #tpu.memory_space<semaphore_mem>>)
    %dma_wait3A_283 = arith.constant 5 : i32
    %dma_wait3A_284 = arith.constant 5 : i32
    %dma_wait3A_285 = arith.constant 0 : i32
    %dma_wait3A_286 = arith.constant 0 : i32
    %dma_wait3A_287 = tpu.memref_slice %arg6[%dma_wait3A_284, %dma_wait3A_285, %dma_wait3A_286] : memref<6x128x128xf32, #tpu.memory_space<vmem>> -> memref<1x128x128xf32, #tpu.memory_space<vmem>>
    %dma_wait3A_288 = tpu.memref_squeeze %dma_wait3A_287 : memref<1x128x128xf32, #tpu.memory_space<vmem>> -> memref<128x128xf32, #tpu.memory_space<vmem>>
    %dma_wait3A_289 = arith.constant 0 : i32
    %dma_wait3A_290 = tpu.memref_slice %arg5[%dma_wait3A_283, %dma_wait3A_289] : memref<11x128xi32, #tpu.memory_space<vmem>> -> memref<1x128xi32, #tpu.memory_space<vmem>>
    %dma_wait3A_291 = tpu.memref_squeeze %dma_wait3A_290 : memref<1x128xi32, #tpu.memory_space<vmem>> -> memref<128xi32, #tpu.memory_space<vmem>>
    %dma_wait3A_292 = arith.constant 0 : i32
    %dma_wait3A_293 = arith.constant 0 : i32
    %dma_wait3A_294 = tpu.memref_slice %arg2[%dma_wait3A_292, %dma_wait3A_293] : memref<44640x128xf32, #tpu.memory_space<hbm>> -> memref<44640x128xf32, #tpu.memory_space<hbm>>
    tpu.wait_indirect_dma semaphore(%arg7 : memref<!tpu.dma_semaphore, #tpu.memory_space<semaphore_mem>>) src(%dma_wait3A_294 : memref<44640x128xf32, #tpu.memory_space<hbm>>) dst(%dma_wait3A_288 : memref<128x128xf32, #tpu.memory_space<vmem>>)
    %add3A_295 = arith.constant 640 : i32
    %add3A_296 = arith.addi %mul3A_2, %add3A_295 : i32
    %dma_start3A_297 = arith.constant 5 : i32
    %dma_start3A_298 = arith.constant 0 : i32
    %dma_start3A_299 = arith.constant 0 : i32
    %dma_start3A_300 = tpu.memref_slice %arg6[%dma_start3A_297, %dma_start3A_298, %dma_start3A_299] : memref<6x128x128xf32, #tpu.memory_space<vmem>> -> memref<1x128x128xf32, #tpu.memory_space<vmem>>
    %dma_start3A_301 = tpu.memref_squeeze %dma_start3A_300 : memref<1x128x128xf32, #tpu.memory_space<vmem>> -> memref<128x128xf32, #tpu.memory_space<vmem>>
    %dma_start3A_302 = arith.constant 0 : i32
    %dma_start3A_303 = tpu.memref_slice %arg4[%add3A_296, %dma_start3A_302] : memref<45056x128xf32, #tpu.memory_space<hbm>> -> memref<128x128xf32, #tpu.memory_space<hbm>>
    %dma_start3A_304 = arith.constant 0 : i32
    %dma_start3A_305 = tpu.memref_slice %arg4[%add3A_296, %dma_start3A_304] : memref<45056x128xf32, #tpu.memory_space<hbm>> -> memref<128x128xf32, #tpu.memory_space<hbm>>
    %dma_start3A_306 = arith.constant 0 : i32
    %dma_start3A_307 = arith.constant 0 : i32
    %dma_start3A_308 = tpu.memref_slice %arg6[%dma_start3A_297, %dma_start3A_306, %dma_start3A_307] : memref<6x128x128xf32, #tpu.memory_space<vmem>> -> memref<1x128x128xf32, #tpu.memory_space<vmem>>
    %dma_start3A_309 = tpu.memref_squeeze %dma_start3A_308 : memref<1x128x128xf32, #tpu.memory_space<vmem>> -> memref<128x128xf32, #tpu.memory_space<vmem>>
    tpu.enqueue_dma source(%dma_start3A_309 : memref<128x128xf32, #tpu.memory_space<vmem>>) target(%dma_start3A_305 : memref<128x128xf32, #tpu.memory_space<hbm>>) target_semaphore(%arg8 : memref<!tpu.dma_semaphore, #tpu.memory_space<semaphore_mem>>)
    %dma_wait3A_310 = arith.constant 3 : i32
    %dma_wait3A_311 = arith.constant 0 : i32
    %dma_wait3A_312 = arith.constant 0 : i32
    %dma_wait3A_313 = tpu.memref_slice %arg6[%dma_wait3A_310, %dma_wait3A_311, %dma_wait3A_312] : memref<6x128x128xf32, #tpu.memory_space<vmem>> -> memref<1x128x128xf32, #tpu.memory_space<vmem>>
    %dma_wait3A_314 = tpu.memref_squeeze %dma_wait3A_313 : memref<1x128x128xf32, #tpu.memory_space<vmem>> -> memref<128x128xf32, #tpu.memory_space<vmem>>
    %dma_wait3A_315 = arith.constant 0 : i32
    %dma_wait3A_316 = tpu.memref_slice %arg4[%add3A_192, %dma_wait3A_315] : memref<45056x128xf32, #tpu.memory_space<hbm>> -> memref<128x128xf32, #tpu.memory_space<hbm>>
    %dma_wait3A_317 = arith.constant 0 : i32
    %dma_wait3A_318 = tpu.memref_slice %arg4[%add3A_192, %dma_wait3A_317] : memref<45056x128xf32, #tpu.memory_space<hbm>> -> memref<128x128xf32, #tpu.memory_space<hbm>>
    %dma_wait3A_319 = arith.constant 0 : i32
    %dma_wait3A_320 = arith.constant 0 : i32
    %dma_wait3A_321 = tpu.memref_slice %arg6[%dma_wait3A_310, %dma_wait3A_319, %dma_wait3A_320] : memref<6x128x128xf32, #tpu.memory_space<vmem>> -> memref<1x128x128xf32, #tpu.memory_space<vmem>>
    %dma_wait3A_322 = tpu.memref_squeeze %dma_wait3A_321 : memref<1x128x128xf32, #tpu.memory_space<vmem>> -> memref<128x128xf32, #tpu.memory_space<vmem>>
    tpu.wait_dma2 semaphore(%arg8 : memref<!tpu.dma_semaphore, #tpu.memory_space<semaphore_mem>>) src(%dma_wait3A_322 : memref<128x128xf32, #tpu.memory_space<vmem>>) dst(%dma_wait3A_318 : memref<128x128xf32, #tpu.memory_space<hbm>>)
    %dma_start3A_323 = arith.constant 9 : i32
    %dma_start3A_324 = arith.constant 3 : i32
    %dma_start3A_325 = arith.constant 0 : i32
    %dma_start3A_326 = arith.constant 0 : i32
    %dma_start3A_327 = tpu.memref_slice %arg6[%dma_start3A_324, %dma_start3A_325, %dma_start3A_326] : memref<6x128x128xf32, #tpu.memory_space<vmem>> -> memref<1x128x128xf32, #tpu.memory_space<vmem>>
    %dma_start3A_328 = tpu.memref_squeeze %dma_start3A_327 : memref<1x128x128xf32, #tpu.memory_space<vmem>> -> memref<128x128xf32, #tpu.memory_space<vmem>>
    %dma_start3A_329 = arith.constant 0 : i32
    %dma_start3A_330 = tpu.memref_slice %arg5[%dma_start3A_323, %dma_start3A_329] : memref<11x128xi32, #tpu.memory_space<vmem>> -> memref<1x128xi32, #tpu.memory_space<vmem>>
    %dma_start3A_331 = tpu.memref_squeeze %dma_start3A_330 : memref<1x128xi32, #tpu.memory_space<vmem>> -> memref<128xi32, #tpu.memory_space<vmem>>
    %dma_start3A_332 = arith.constant 0 : i32
    %dma_start3A_333 = arith.constant 0 : i32
    %dma_start3A_334 = tpu.memref_slice %arg2[%dma_start3A_332, %dma_start3A_333] : memref<44640x128xf32, #tpu.memory_space<hbm>> -> memref<44640x128xf32, #tpu.memory_space<hbm>>
    tpu.enqueue_indirect_dma source(%dma_start3A_334 : memref<44640x128xf32, #tpu.memory_space<hbm>>) target(%dma_start3A_328 : memref<128x128xf32, #tpu.memory_space<vmem>>) offsets(%dma_start3A_331 : memref<128xi32, #tpu.memory_space<vmem>>) semaphore(%arg7 : memref<!tpu.dma_semaphore, #tpu.memory_space<semaphore_mem>>)
    %dma_wait3A_335 = arith.constant 6 : i32
    %dma_wait3A_336 = arith.constant 0 : i32
    %dma_wait3A_337 = arith.constant 0 : i32
    %dma_wait3A_338 = arith.constant 0 : i32
    %dma_wait3A_339 = tpu.memref_slice %arg6[%dma_wait3A_336, %dma_wait3A_337, %dma_wait3A_338] : memref<6x128x128xf32, #tpu.memory_space<vmem>> -> memref<1x128x128xf32, #tpu.memory_space<vmem>>
    %dma_wait3A_340 = tpu.memref_squeeze %dma_wait3A_339 : memref<1x128x128xf32, #tpu.memory_space<vmem>> -> memref<128x128xf32, #tpu.memory_space<vmem>>
    %dma_wait3A_341 = arith.constant 0 : i32
    %dma_wait3A_342 = tpu.memref_slice %arg5[%dma_wait3A_335, %dma_wait3A_341] : memref<11x128xi32, #tpu.memory_space<vmem>> -> memref<1x128xi32, #tpu.memory_space<vmem>>
    %dma_wait3A_343 = tpu.memref_squeeze %dma_wait3A_342 : memref<1x128xi32, #tpu.memory_space<vmem>> -> memref<128xi32, #tpu.memory_space<vmem>>
    %dma_wait3A_344 = arith.constant 0 : i32
    %dma_wait3A_345 = arith.constant 0 : i32
    %dma_wait3A_346 = tpu.memref_slice %arg2[%dma_wait3A_344, %dma_wait3A_345] : memref<44640x128xf32, #tpu.memory_space<hbm>> -> memref<44640x128xf32, #tpu.memory_space<hbm>>
    tpu.wait_indirect_dma semaphore(%arg7 : memref<!tpu.dma_semaphore, #tpu.memory_space<semaphore_mem>>) src(%dma_wait3A_346 : memref<44640x128xf32, #tpu.memory_space<hbm>>) dst(%dma_wait3A_340 : memref<128x128xf32, #tpu.memory_space<vmem>>)
    %add3A_347 = arith.constant 768 : i32
    %add3A_348 = arith.addi %mul3A_2, %add3A_347 : i32
    %dma_start3A_349 = arith.constant 0 : i32
    %dma_start3A_350 = arith.constant 0 : i32
    %dma_start3A_351 = arith.constant 0 : i32
    %dma_start3A_352 = tpu.memref_slice %arg6[%dma_start3A_349, %dma_start3A_350, %dma_start3A_351] : memref<6x128x128xf32, #tpu.memory_space<vmem>> -> memref<1x128x128xf32, #tpu.memory_space<vmem>>
    %dma_start3A_353 = tpu.memref_squeeze %dma_start3A_352 : memref<1x128x128xf32, #tpu.memory_space<vmem>> -> memref<128x128xf32, #tpu.memory_space<vmem>>
    %dma_start3A_354 = arith.constant 0 : i32
    %dma_start3A_355 = tpu.memref_slice %arg4[%add3A_348, %dma_start3A_354] : memref<45056x128xf32, #tpu.memory_space<hbm>> -> memref<128x128xf32, #tpu.memory_space<hbm>>
    %dma_start3A_356 = arith.constant 0 : i32
    %dma_start3A_357 = tpu.memref_slice %arg4[%add3A_348, %dma_start3A_356] : memref<45056x128xf32, #tpu.memory_space<hbm>> -> memref<128x128xf32, #tpu.memory_space<hbm>>
    %dma_start3A_358 = arith.constant 0 : i32
    %dma_start3A_359 = arith.constant 0 : i32
    %dma_start3A_360 = tpu.memref_slice %arg6[%dma_start3A_349, %dma_start3A_358, %dma_start3A_359] : memref<6x128x128xf32, #tpu.memory_space<vmem>> -> memref<1x128x128xf32, #tpu.memory_space<vmem>>
    %dma_start3A_361 = tpu.memref_squeeze %dma_start3A_360 : memref<1x128x128xf32, #tpu.memory_space<vmem>> -> memref<128x128xf32, #tpu.memory_space<vmem>>
    tpu.enqueue_dma source(%dma_start3A_361 : memref<128x128xf32, #tpu.memory_space<vmem>>) target(%dma_start3A_357 : memref<128x128xf32, #tpu.memory_space<hbm>>) target_semaphore(%arg8 : memref<!tpu.dma_semaphore, #tpu.memory_space<semaphore_mem>>)
    %dma_wait3A_362 = arith.constant 4 : i32
    %dma_wait3A_363 = arith.constant 0 : i32
    %dma_wait3A_364 = arith.constant 0 : i32
    %dma_wait3A_365 = tpu.memref_slice %arg6[%dma_wait3A_362, %dma_wait3A_363, %dma_wait3A_364] : memref<6x128x128xf32, #tpu.memory_space<vmem>> -> memref<1x128x128xf32, #tpu.memory_space<vmem>>
    %dma_wait3A_366 = tpu.memref_squeeze %dma_wait3A_365 : memref<1x128x128xf32, #tpu.memory_space<vmem>> -> memref<128x128xf32, #tpu.memory_space<vmem>>
    %dma_wait3A_367 = arith.constant 0 : i32
    %dma_wait3A_368 = tpu.memref_slice %arg4[%add3A_244, %dma_wait3A_367] : memref<45056x128xf32, #tpu.memory_space<hbm>> -> memref<128x128xf32, #tpu.memory_space<hbm>>
    %dma_wait3A_369 = arith.constant 0 : i32
    %dma_wait3A_370 = tpu.memref_slice %arg4[%add3A_244, %dma_wait3A_369] : memref<45056x128xf32, #tpu.memory_space<hbm>> -> memref<128x128xf32, #tpu.memory_space<hbm>>
    %dma_wait3A_371 = arith.constant 0 : i32
    %dma_wait3A_372 = arith.constant 0 : i32
    %dma_wait3A_373 = tpu.memref_slice %arg6[%dma_wait3A_362, %dma_wait3A_371, %dma_wait3A_372] : memref<6x128x128xf32, #tpu.memory_space<vmem>> -> memref<1x128x128xf32, #tpu.memory_space<vmem>>
    %dma_wait3A_374 = tpu.memref_squeeze %dma_wait3A_373 : memref<1x128x128xf32, #tpu.memory_space<vmem>> -> memref<128x128xf32, #tpu.memory_space<vmem>>
    tpu.wait_dma2 semaphore(%arg8 : memref<!tpu.dma_semaphore, #tpu.memory_space<semaphore_mem>>) src(%dma_wait3A_374 : memref<128x128xf32, #tpu.memory_space<vmem>>) dst(%dma_wait3A_370 : memref<128x128xf32, #tpu.memory_space<hbm>>)
    %dma_start3A_375 = arith.constant 10 : i32
    %dma_start3A_376 = arith.constant 4 : i32
    %dma_start3A_377 = arith.constant 0 : i32
    %dma_start3A_378 = arith.constant 0 : i32
    %dma_start3A_379 = tpu.memref_slice %arg6[%dma_start3A_376, %dma_start3A_377, %dma_start3A_378] : memref<6x128x128xf32, #tpu.memory_space<vmem>> -> memref<1x128x128xf32, #tpu.memory_space<vmem>>
    %dma_start3A_380 = tpu.memref_squeeze %dma_start3A_379 : memref<1x128x128xf32, #tpu.memory_space<vmem>> -> memref<128x128xf32, #tpu.memory_space<vmem>>
    %dma_start3A_381 = arith.constant 0 : i32
    %dma_start3A_382 = tpu.memref_slice %arg5[%dma_start3A_375, %dma_start3A_381] : memref<11x128xi32, #tpu.memory_space<vmem>> -> memref<1x128xi32, #tpu.memory_space<vmem>>
    %dma_start3A_383 = tpu.memref_squeeze %dma_start3A_382 : memref<1x128xi32, #tpu.memory_space<vmem>> -> memref<128xi32, #tpu.memory_space<vmem>>
    %dma_start3A_384 = arith.constant 0 : i32
    %dma_start3A_385 = arith.constant 0 : i32
    %dma_start3A_386 = tpu.memref_slice %arg2[%dma_start3A_384, %dma_start3A_385] : memref<44640x128xf32, #tpu.memory_space<hbm>> -> memref<44640x128xf32, #tpu.memory_space<hbm>>
    tpu.enqueue_indirect_dma source(%dma_start3A_386 : memref<44640x128xf32, #tpu.memory_space<hbm>>) target(%dma_start3A_380 : memref<128x128xf32, #tpu.memory_space<vmem>>) offsets(%dma_start3A_383 : memref<128xi32, #tpu.memory_space<vmem>>) semaphore(%arg7 : memref<!tpu.dma_semaphore, #tpu.memory_space<semaphore_mem>>)
    %dma_wait3A_387 = arith.constant 7 : i32
    %dma_wait3A_388 = arith.constant 1 : i32
    %dma_wait3A_389 = arith.constant 0 : i32
    %dma_wait3A_390 = arith.constant 0 : i32
    %dma_wait3A_391 = tpu.memref_slice %arg6[%dma_wait3A_388, %dma_wait3A_389, %dma_wait3A_390] : memref<6x128x128xf32, #tpu.memory_space<vmem>> -> memref<1x128x128xf32, #tpu.memory_space<vmem>>
    %dma_wait3A_392 = tpu.memref_squeeze %dma_wait3A_391 : memref<1x128x128xf32, #tpu.memory_space<vmem>> -> memref<128x128xf32, #tpu.memory_space<vmem>>
    %dma_wait3A_393 = arith.constant 0 : i32
    %dma_wait3A_394 = tpu.memref_slice %arg5[%dma_wait3A_387, %dma_wait3A_393] : memref<11x128xi32, #tpu.memory_space<vmem>> -> memref<1x128xi32, #tpu.memory_space<vmem>>
    %dma_wait3A_395 = tpu.memref_squeeze %dma_wait3A_394 : memref<1x128xi32, #tpu.memory_space<vmem>> -> memref<128xi32, #tpu.memory_space<vmem>>
    %dma_wait3A_396 = arith.constant 0 : i32
    %dma_wait3A_397 = arith.constant 0 : i32
    %dma_wait3A_398 = tpu.memref_slice %arg2[%dma_wait3A_396, %dma_wait3A_397] : memref<44640x128xf32, #tpu.memory_space<hbm>> -> memref<44640x128xf32, #tpu.memory_space<hbm>>
    tpu.wait_indirect_dma semaphore(%arg7 : memref<!tpu.dma_semaphore, #tpu.memory_space<semaphore_mem>>) src(%dma_wait3A_398 : memref<44640x128xf32, #tpu.memory_space<hbm>>) dst(%dma_wait3A_392 : memref<128x128xf32, #tpu.memory_space<vmem>>)
    %add3A_399 = arith.constant 896 : i32
    %add3A_400 = arith.addi %mul3A_2, %add3A_399 : i32
    %dma_start3A_401 = arith.constant 1 : i32
    %dma_start3A_402 = arith.constant 0 : i32
    %dma_start3A_403 = arith.constant 0 : i32
    %dma_start3A_404 = tpu.memref_slice %arg6[%dma_start3A_401, %dma_start3A_402, %dma_start3A_403] : memref<6x128x128xf32, #tpu.memory_space<vmem>> -> memref<1x128x128xf32, #tpu.memory_space<vmem>>
    %dma_start3A_405 = tpu.memref_squeeze %dma_start3A_404 : memref<1x128x128xf32, #tpu.memory_space<vmem>> -> memref<128x128xf32, #tpu.memory_space<vmem>>
    %dma_start3A_406 = arith.constant 0 : i32
    %dma_start3A_407 = tpu.memref_slice %arg4[%add3A_400, %dma_start3A_406] : memref<45056x128xf32, #tpu.memory_space<hbm>> -> memref<128x128xf32, #tpu.memory_space<hbm>>
    %dma_start3A_408 = arith.constant 0 : i32
    %dma_start3A_409 = tpu.memref_slice %arg4[%add3A_400, %dma_start3A_408] : memref<45056x128xf32, #tpu.memory_space<hbm>> -> memref<128x128xf32, #tpu.memory_space<hbm>>
    %dma_start3A_410 = arith.constant 0 : i32
    %dma_start3A_411 = arith.constant 0 : i32
    %dma_start3A_412 = tpu.memref_slice %arg6[%dma_start3A_401, %dma_start3A_410, %dma_start3A_411] : memref<6x128x128xf32, #tpu.memory_space<vmem>> -> memref<1x128x128xf32, #tpu.memory_space<vmem>>
    %dma_start3A_413 = tpu.memref_squeeze %dma_start3A_412 : memref<1x128x128xf32, #tpu.memory_space<vmem>> -> memref<128x128xf32, #tpu.memory_space<vmem>>
    tpu.enqueue_dma source(%dma_start3A_413 : memref<128x128xf32, #tpu.memory_space<vmem>>) target(%dma_start3A_409 : memref<128x128xf32, #tpu.memory_space<hbm>>) target_semaphore(%arg8 : memref<!tpu.dma_semaphore, #tpu.memory_space<semaphore_mem>>)
    %dma_wait3A_414 = arith.constant 8 : i32
    %dma_wait3A_415 = arith.constant 2 : i32
    %dma_wait3A_416 = arith.constant 0 : i32
    %dma_wait3A_417 = arith.constant 0 : i32
    %dma_wait3A_418 = tpu.memref_slice %arg6[%dma_wait3A_415, %dma_wait3A_416, %dma_wait3A_417] : memref<6x128x128xf32, #tpu.memory_space<vmem>> -> memref<1x128x128xf32, #tpu.memory_space<vmem>>
    %dma_wait3A_419 = tpu.memref_squeeze %dma_wait3A_418 : memref<1x128x128xf32, #tpu.memory_space<vmem>> -> memref<128x128xf32, #tpu.memory_space<vmem>>
    %dma_wait3A_420 = arith.constant 0 : i32
    %dma_wait3A_421 = tpu.memref_slice %arg5[%dma_wait3A_414, %dma_wait3A_420] : memref<11x128xi32, #tpu.memory_space<vmem>> -> memref<1x128xi32, #tpu.memory_space<vmem>>
    %dma_wait3A_422 = tpu.memref_squeeze %dma_wait3A_421 : memref<1x128xi32, #tpu.memory_space<vmem>> -> memref<128xi32, #tpu.memory_space<vmem>>
    %dma_wait3A_423 = arith.constant 0 : i32
    %dma_wait3A_424 = arith.constant 0 : i32
    %dma_wait3A_425 = tpu.memref_slice %arg2[%dma_wait3A_423, %dma_wait3A_424] : memref<44640x128xf32, #tpu.memory_space<hbm>> -> memref<44640x128xf32, #tpu.memory_space<hbm>>
    tpu.wait_indirect_dma semaphore(%arg7 : memref<!tpu.dma_semaphore, #tpu.memory_space<semaphore_mem>>) src(%dma_wait3A_425 : memref<44640x128xf32, #tpu.memory_space<hbm>>) dst(%dma_wait3A_419 : memref<128x128xf32, #tpu.memory_space<vmem>>)
    %add3A_426 = arith.constant 1024 : i32
    %add3A_427 = arith.addi %mul3A_2, %add3A_426 : i32
    %dma_start3A_428 = arith.constant 2 : i32
    %dma_start3A_429 = arith.constant 0 : i32
    %dma_start3A_430 = arith.constant 0 : i32
    %dma_start3A_431 = tpu.memref_slice %arg6[%dma_start3A_428, %dma_start3A_429, %dma_start3A_430] : memref<6x128x128xf32, #tpu.memory_space<vmem>> -> memref<1x128x128xf32, #tpu.memory_space<vmem>>
    %dma_start3A_432 = tpu.memref_squeeze %dma_start3A_431 : memref<1x128x128xf32, #tpu.memory_space<vmem>> -> memref<128x128xf32, #tpu.memory_space<vmem>>
    %dma_start3A_433 = arith.constant 0 : i32
    %dma_start3A_434 = tpu.memref_slice %arg4[%add3A_427, %dma_start3A_433] : memref<45056x128xf32, #tpu.memory_space<hbm>> -> memref<128x128xf32, #tpu.memory_space<hbm>>
    %dma_start3A_435 = arith.constant 0 : i32
    %dma_start3A_436 = tpu.memref_slice %arg4[%add3A_427, %dma_start3A_435] : memref<45056x128xf32, #tpu.memory_space<hbm>> -> memref<128x128xf32, #tpu.memory_space<hbm>>
    %dma_start3A_437 = arith.constant 0 : i32
    %dma_start3A_438 = arith.constant 0 : i32
    %dma_start3A_439 = tpu.memref_slice %arg6[%dma_start3A_428, %dma_start3A_437, %dma_start3A_438] : memref<6x128x128xf32, #tpu.memory_space<vmem>> -> memref<1x128x128xf32, #tpu.memory_space<vmem>>
    %dma_start3A_440 = tpu.memref_squeeze %dma_start3A_439 : memref<1x128x128xf32, #tpu.memory_space<vmem>> -> memref<128x128xf32, #tpu.memory_space<vmem>>
    tpu.enqueue_dma source(%dma_start3A_440 : memref<128x128xf32, #tpu.memory_space<vmem>>) target(%dma_start3A_436 : memref<128x128xf32, #tpu.memory_space<hbm>>) target_semaphore(%arg8 : memref<!tpu.dma_semaphore, #tpu.memory_space<semaphore_mem>>)
    %dma_wait3A_441 = arith.constant 9 : i32
    %dma_wait3A_442 = arith.constant 3 : i32
    %dma_wait3A_443 = arith.constant 0 : i32
    %dma_wait3A_444 = arith.constant 0 : i32
    %dma_wait3A_445 = tpu.memref_slice %arg6[%dma_wait3A_442, %dma_wait3A_443, %dma_wait3A_444] : memref<6x128x128xf32, #tpu.memory_space<vmem>> -> memref<1x128x128xf32, #tpu.memory_space<vmem>>
    %dma_wait3A_446 = tpu.memref_squeeze %dma_wait3A_445 : memref<1x128x128xf32, #tpu.memory_space<vmem>> -> memref<128x128xf32, #tpu.memory_space<vmem>>
    %dma_wait3A_447 = arith.constant 0 : i32
    %dma_wait3A_448 = tpu.memref_slice %arg5[%dma_wait3A_441, %dma_wait3A_447] : memref<11x128xi32, #tpu.memory_space<vmem>> -> memref<1x128xi32, #tpu.memory_space<vmem>>
    %dma_wait3A_449 = tpu.memref_squeeze %dma_wait3A_448 : memref<1x128xi32, #tpu.memory_space<vmem>> -> memref<128xi32, #tpu.memory_space<vmem>>
    %dma_wait3A_450 = arith.constant 0 : i32
    %dma_wait3A_451 = arith.constant 0 : i32
    %dma_wait3A_452 = tpu.memref_slice %arg2[%dma_wait3A_450, %dma_wait3A_451] : memref<44640x128xf32, #tpu.memory_space<hbm>> -> memref<44640x128xf32, #tpu.memory_space<hbm>>
    tpu.wait_indirect_dma semaphore(%arg7 : memref<!tpu.dma_semaphore, #tpu.memory_space<semaphore_mem>>) src(%dma_wait3A_452 : memref<44640x128xf32, #tpu.memory_space<hbm>>) dst(%dma_wait3A_446 : memref<128x128xf32, #tpu.memory_space<vmem>>)
    %add3A_453 = arith.constant 1152 : i32
    %add3A_454 = arith.addi %mul3A_2, %add3A_453 : i32
    %dma_start3A_455 = arith.constant 3 : i32
    %dma_start3A_456 = arith.constant 0 : i32
    %dma_start3A_457 = arith.constant 0 : i32
    %dma_start3A_458 = tpu.memref_slice %arg6[%dma_start3A_455, %dma_start3A_456, %dma_start3A_457] : memref<6x128x128xf32, #tpu.memory_space<vmem>> -> memref<1x128x128xf32, #tpu.memory_space<vmem>>
    %dma_start3A_459 = tpu.memref_squeeze %dma_start3A_458 : memref<1x128x128xf32, #tpu.memory_space<vmem>> -> memref<128x128xf32, #tpu.memory_space<vmem>>
    %dma_start3A_460 = arith.constant 0 : i32
    %dma_start3A_461 = tpu.memref_slice %arg4[%add3A_454, %dma_start3A_460] : memref<45056x128xf32, #tpu.memory_space<hbm>> -> memref<128x128xf32, #tpu.memory_space<hbm>>
    %dma_start3A_462 = arith.constant 0 : i32
    %dma_start3A_463 = tpu.memref_slice %arg4[%add3A_454, %dma_start3A_462] : memref<45056x128xf32, #tpu.memory_space<hbm>> -> memref<128x128xf32, #tpu.memory_space<hbm>>
    %dma_start3A_464 = arith.constant 0 : i32
    %dma_start3A_465 = arith.constant 0 : i32
    %dma_start3A_466 = tpu.memref_slice %arg6[%dma_start3A_455, %dma_start3A_464, %dma_start3A_465] : memref<6x128x128xf32, #tpu.memory_space<vmem>> -> memref<1x128x128xf32, #tpu.memory_space<vmem>>
    %dma_start3A_467 = tpu.memref_squeeze %dma_start3A_466 : memref<1x128x128xf32, #tpu.memory_space<vmem>> -> memref<128x128xf32, #tpu.memory_space<vmem>>
    tpu.enqueue_dma source(%dma_start3A_467 : memref<128x128xf32, #tpu.memory_space<vmem>>) target(%dma_start3A_463 : memref<128x128xf32, #tpu.memory_space<hbm>>) target_semaphore(%arg8 : memref<!tpu.dma_semaphore, #tpu.memory_space<semaphore_mem>>)
    %dma_wait3A_468 = arith.constant 10 : i32
    %dma_wait3A_469 = arith.constant 4 : i32
    %dma_wait3A_470 = arith.constant 0 : i32
    %dma_wait3A_471 = arith.constant 0 : i32
    %dma_wait3A_472 = tpu.memref_slice %arg6[%dma_wait3A_469, %dma_wait3A_470, %dma_wait3A_471] : memref<6x128x128xf32, #tpu.memory_space<vmem>> -> memref<1x128x128xf32, #tpu.memory_space<vmem>>
    %dma_wait3A_473 = tpu.memref_squeeze %dma_wait3A_472 : memref<1x128x128xf32, #tpu.memory_space<vmem>> -> memref<128x128xf32, #tpu.memory_space<vmem>>
    %dma_wait3A_474 = arith.constant 0 : i32
    %dma_wait3A_475 = tpu.memref_slice %arg5[%dma_wait3A_468, %dma_wait3A_474] : memref<11x128xi32, #tpu.memory_space<vmem>> -> memref<1x128xi32, #tpu.memory_space<vmem>>
    %dma_wait3A_476 = tpu.memref_squeeze %dma_wait3A_475 : memref<1x128xi32, #tpu.memory_space<vmem>> -> memref<128xi32, #tpu.memory_space<vmem>>
    %dma_wait3A_477 = arith.constant 0 : i32
    %dma_wait3A_478 = arith.constant 0 : i32
    %dma_wait3A_479 = tpu.memref_slice %arg2[%dma_wait3A_477, %dma_wait3A_478] : memref<44640x128xf32, #tpu.memory_space<hbm>> -> memref<44640x128xf32, #tpu.memory_space<hbm>>
    tpu.wait_indirect_dma semaphore(%arg7 : memref<!tpu.dma_semaphore, #tpu.memory_space<semaphore_mem>>) src(%dma_wait3A_479 : memref<44640x128xf32, #tpu.memory_space<hbm>>) dst(%dma_wait3A_473 : memref<128x128xf32, #tpu.memory_space<vmem>>)
    %add3A_480 = arith.constant 1280 : i32
    %add3A_481 = arith.addi %mul3A_2, %add3A_480 : i32
    %dma_start3A_482 = arith.constant 4 : i32
    %dma_start3A_483 = arith.constant 0 : i32
    %dma_start3A_484 = arith.constant 0 : i32
    %dma_start3A_485 = tpu.memref_slice %arg6[%dma_start3A_482, %dma_start3A_483, %dma_start3A_484] : memref<6x128x128xf32, #tpu.memory_space<vmem>> -> memref<1x128x128xf32, #tpu.memory_space<vmem>>
    %dma_start3A_486 = tpu.memref_squeeze %dma_start3A_485 : memref<1x128x128xf32, #tpu.memory_space<vmem>> -> memref<128x128xf32, #tpu.memory_space<vmem>>
    %dma_start3A_487 = arith.constant 0 : i32
    %dma_start3A_488 = tpu.memref_slice %arg4[%add3A_481, %dma_start3A_487] : memref<45056x128xf32, #tpu.memory_space<hbm>> -> memref<128x128xf32, #tpu.memory_space<hbm>>
    %dma_start3A_489 = arith.constant 0 : i32
    %dma_start3A_490 = tpu.memref_slice %arg4[%add3A_481, %dma_start3A_489] : memref<45056x128xf32, #tpu.memory_space<hbm>> -> memref<128x128xf32, #tpu.memory_space<hbm>>
    %dma_start3A_491 = arith.constant 0 : i32
    %dma_start3A_492 = arith.constant 0 : i32
    %dma_start3A_493 = tpu.memref_slice %arg6[%dma_start3A_482, %dma_start3A_491, %dma_start3A_492] : memref<6x128x128xf32, #tpu.memory_space<vmem>> -> memref<1x128x128xf32, #tpu.memory_space<vmem>>
    %dma_start3A_494 = tpu.memref_squeeze %dma_start3A_493 : memref<1x128x128xf32, #tpu.memory_space<vmem>> -> memref<128x128xf32, #tpu.memory_space<vmem>>
    tpu.enqueue_dma source(%dma_start3A_494 : memref<128x128xf32, #tpu.memory_space<vmem>>) target(%dma_start3A_490 : memref<128x128xf32, #tpu.memory_space<hbm>>) target_semaphore(%arg8 : memref<!tpu.dma_semaphore, #tpu.memory_space<semaphore_mem>>)
    %dma_wait3A_495 = arith.constant 5 : i32
    %dma_wait3A_496 = arith.constant 0 : i32
    %dma_wait3A_497 = arith.constant 0 : i32
    %dma_wait3A_498 = tpu.memref_slice %arg6[%dma_wait3A_495, %dma_wait3A_496, %dma_wait3A_497] : memref<6x128x128xf32, #tpu.memory_space<vmem>> -> memref<1x128x128xf32, #tpu.memory_space<vmem>>
    %dma_wait3A_499 = tpu.memref_squeeze %dma_wait3A_498 : memref<1x128x128xf32, #tpu.memory_space<vmem>> -> memref<128x128xf32, #tpu.memory_space<vmem>>
    %dma_wait3A_500 = arith.constant 0 : i32
    %dma_wait3A_501 = tpu.memref_slice %arg4[%add3A_296, %dma_wait3A_500] : memref<45056x128xf32, #tpu.memory_space<hbm>> -> memref<128x128xf32, #tpu.memory_space<hbm>>
    %dma_wait3A_502 = arith.constant 0 : i32
    %dma_wait3A_503 = tpu.memref_slice %arg4[%add3A_296, %dma_wait3A_502] : memref<45056x128xf32, #tpu.memory_space<hbm>> -> memref<128x128xf32, #tpu.memory_space<hbm>>
    %dma_wait3A_504 = arith.constant 0 : i32
    %dma_wait3A_505 = arith.constant 0 : i32
    %dma_wait3A_506 = tpu.memref_slice %arg6[%dma_wait3A_495, %dma_wait3A_504, %dma_wait3A_505] : memref<6x128x128xf32, #tpu.memory_space<vmem>> -> memref<1x128x128xf32, #tpu.memory_space<vmem>>
    %dma_wait3A_507 = tpu.memref_squeeze %dma_wait3A_506 : memref<1x128x128xf32, #tpu.memory_space<vmem>> -> memref<128x128xf32, #tpu.memory_space<vmem>>
    tpu.wait_dma2 semaphore(%arg8 : memref<!tpu.dma_semaphore, #tpu.memory_space<semaphore_mem>>) src(%dma_wait3A_507 : memref<128x128xf32, #tpu.memory_space<vmem>>) dst(%dma_wait3A_503 : memref<128x128xf32, #tpu.memory_space<hbm>>)
    %dma_wait3A_508 = arith.constant 0 : i32
    %dma_wait3A_509 = arith.constant 0 : i32
    %dma_wait3A_510 = arith.constant 0 : i32
    %dma_wait3A_511 = tpu.memref_slice %arg6[%dma_wait3A_508, %dma_wait3A_509, %dma_wait3A_510] : memref<6x128x128xf32, #tpu.memory_space<vmem>> -> memref<1x128x128xf32, #tpu.memory_space<vmem>>
    %dma_wait3A_512 = tpu.memref_squeeze %dma_wait3A_511 : memref<1x128x128xf32, #tpu.memory_space<vmem>> -> memref<128x128xf32, #tpu.memory_space<vmem>>
    %dma_wait3A_513 = arith.constant 0 : i32
    %dma_wait3A_514 = tpu.memref_slice %arg4[%add3A_348, %dma_wait3A_513] : memref<45056x128xf32, #tpu.memory_space<hbm>> -> memref<128x128xf32, #tpu.memory_space<hbm>>
    %dma_wait3A_515 = arith.constant 0 : i32
    %dma_wait3A_516 = tpu.memref_slice %arg4[%add3A_348, %dma_wait3A_515] : memref<45056x128xf32, #tpu.memory_space<hbm>> -> memref<128x128xf32, #tpu.memory_space<hbm>>
    %dma_wait3A_517 = arith.constant 0 : i32
    %dma_wait3A_518 = arith.constant 0 : i32
    %dma_wait3A_519 = tpu.memref_slice %arg6[%dma_wait3A_508, %dma_wait3A_517, %dma_wait3A_518] : memref<6x128x128xf32, #tpu.memory_space<vmem>> -> memref<1x128x128xf32, #tpu.memory_space<vmem>>
    %dma_wait3A_520 = tpu.memref_squeeze %dma_wait3A_519 : memref<1x128x128xf32, #tpu.memory_space<vmem>> -> memref<128x128xf32, #tpu.memory_space<vmem>>
    tpu.wait_dma2 semaphore(%arg8 : memref<!tpu.dma_semaphore, #tpu.memory_space<semaphore_mem>>) src(%dma_wait3A_520 : memref<128x128xf32, #tpu.memory_space<vmem>>) dst(%dma_wait3A_516 : memref<128x128xf32, #tpu.memory_space<hbm>>)
    %dma_wait3A_521 = arith.constant 1 : i32
    %dma_wait3A_522 = arith.constant 0 : i32
    %dma_wait3A_523 = arith.constant 0 : i32
    %dma_wait3A_524 = tpu.memref_slice %arg6[%dma_wait3A_521, %dma_wait3A_522, %dma_wait3A_523] : memref<6x128x128xf32, #tpu.memory_space<vmem>> -> memref<1x128x128xf32, #tpu.memory_space<vmem>>
    %dma_wait3A_525 = tpu.memref_squeeze %dma_wait3A_524 : memref<1x128x128xf32, #tpu.memory_space<vmem>> -> memref<128x128xf32, #tpu.memory_space<vmem>>
    %dma_wait3A_526 = arith.constant 0 : i32
    %dma_wait3A_527 = tpu.memref_slice %arg4[%add3A_400, %dma_wait3A_526] : memref<45056x128xf32, #tpu.memory_space<hbm>> -> memref<128x128xf32, #tpu.memory_space<hbm>>
    %dma_wait3A_528 = arith.constant 0 : i32
    %dma_wait3A_529 = tpu.memref_slice %arg4[%add3A_400, %dma_wait3A_528] : memref<45056x128xf32, #tpu.memory_space<hbm>> -> memref<128x128xf32, #tpu.memory_space<hbm>>
    %dma_wait3A_530 = arith.constant 0 : i32
    %dma_wait3A_531 = arith.constant 0 : i32
    %dma_wait3A_532 = tpu.memref_slice %arg6[%dma_wait3A_521, %dma_wait3A_530, %dma_wait3A_531] : memref<6x128x128xf32, #tpu.memory_space<vmem>> -> memref<1x128x128xf32, #tpu.memory_space<vmem>>
    %dma_wait3A_533 = tpu.memref_squeeze %dma_wait3A_532 : memref<1x128x128xf32, #tpu.memory_space<vmem>> -> memref<128x128xf32, #tpu.memory_space<vmem>>
    tpu.wait_dma2 semaphore(%arg8 : memref<!tpu.dma_semaphore, #tpu.memory_space<semaphore_mem>>) src(%dma_wait3A_533 : memref<128x128xf32, #tpu.memory_space<vmem>>) dst(%dma_wait3A_529 : memref<128x128xf32, #tpu.memory_space<hbm>>)
    %dma_wait3A_534 = arith.constant 2 : i32
    %dma_wait3A_535 = arith.constant 0 : i32
    %dma_wait3A_536 = arith.constant 0 : i32
    %dma_wait3A_537 = tpu.memref_slice %arg6[%dma_wait3A_534, %dma_wait3A_535, %dma_wait3A_536] : memref<6x128x128xf32, #tpu.memory_space<vmem>> -> memref<1x128x128xf32, #tpu.memory_space<vmem>>
    %dma_wait3A_538 = tpu.memref_squeeze %dma_wait3A_537 : memref<1x128x128xf32, #tpu.memory_space<vmem>> -> memref<128x128xf32, #tpu.memory_space<vmem>>
    %dma_wait3A_539 = arith.constant 0 : i32
    %dma_wait3A_540 = tpu.memref_slice %arg4[%add3A_427, %dma_wait3A_539] : memref<45056x128xf32, #tpu.memory_space<hbm>> -> memref<128x128xf32, #tpu.memory_space<hbm>>
    %dma_wait3A_541 = arith.constant 0 : i32
    %dma_wait3A_542 = tpu.memref_slice %arg4[%add3A_427, %dma_wait3A_541] : memref<45056x128xf32, #tpu.memory_space<hbm>> -> memref<128x128xf32, #tpu.memory_space<hbm>>
    %dma_wait3A_543 = arith.constant 0 : i32
    %dma_wait3A_544 = arith.constant 0 : i32
    %dma_wait3A_545 = tpu.memref_slice %arg6[%dma_wait3A_534, %dma_wait3A_543, %dma_wait3A_544] : memref<6x128x128xf32, #tpu.memory_space<vmem>> -> memref<1x128x128xf32, #tpu.memory_space<vmem>>
    %dma_wait3A_546 = tpu.memref_squeeze %dma_wait3A_545 : memref<1x128x128xf32, #tpu.memory_space<vmem>> -> memref<128x128xf32, #tpu.memory_space<vmem>>
    tpu.wait_dma2 semaphore(%arg8 : memref<!tpu.dma_semaphore, #tpu.memory_space<semaphore_mem>>) src(%dma_wait3A_546 : memref<128x128xf32, #tpu.memory_space<vmem>>) dst(%dma_wait3A_542 : memref<128x128xf32, #tpu.memory_space<hbm>>)
    %dma_wait3A_547 = arith.constant 3 : i32
    %dma_wait3A_548 = arith.constant 0 : i32
    %dma_wait3A_549 = arith.constant 0 : i32
    %dma_wait3A_550 = tpu.memref_slice %arg6[%dma_wait3A_547, %dma_wait3A_548, %dma_wait3A_549] : memref<6x128x128xf32, #tpu.memory_space<vmem>> -> memref<1x128x128xf32, #tpu.memory_space<vmem>>
    %dma_wait3A_551 = tpu.memref_squeeze %dma_wait3A_550 : memref<1x128x128xf32, #tpu.memory_space<vmem>> -> memref<128x128xf32, #tpu.memory_space<vmem>>
    %dma_wait3A_552 = arith.constant 0 : i32
    %dma_wait3A_553 = tpu.memref_slice %arg4[%add3A_454, %dma_wait3A_552] : memref<45056x128xf32, #tpu.memory_space<hbm>> -> memref<128x128xf32, #tpu.memory_space<hbm>>
    %dma_wait3A_554 = arith.constant 0 : i32
    %dma_wait3A_555 = tpu.memref_slice %arg4[%add3A_454, %dma_wait3A_554] : memref<45056x128xf32, #tpu.memory_space<hbm>> -> memref<128x128xf32, #tpu.memory_space<hbm>>
    %dma_wait3A_556 = arith.constant 0 : i32
    %dma_wait3A_557 = arith.constant 0 : i32
    %dma_wait3A_558 = tpu.memref_slice %arg6[%dma_wait3A_547, %dma_wait3A_556, %dma_wait3A_557] : memref<6x128x128xf32, #tpu.memory_space<vmem>> -> memref<1x128x128xf32, #tpu.memory_space<vmem>>
    %dma_wait3A_559 = tpu.memref_squeeze %dma_wait3A_558 : memref<1x128x128xf32, #tpu.memory_space<vmem>> -> memref<128x128xf32, #tpu.memory_space<vmem>>
    tpu.wait_dma2 semaphore(%arg8 : memref<!tpu.dma_semaphore, #tpu.memory_space<semaphore_mem>>) src(%dma_wait3A_559 : memref<128x128xf32, #tpu.memory_space<vmem>>) dst(%dma_wait3A_555 : memref<128x128xf32, #tpu.memory_space<hbm>>)
    %dma_wait3A_560 = arith.constant 4 : i32
    %dma_wait3A_561 = arith.constant 0 : i32
    %dma_wait3A_562 = arith.constant 0 : i32
    %dma_wait3A_563 = tpu.memref_slice %arg6[%dma_wait3A_560, %dma_wait3A_561, %dma_wait3A_562] : memref<6x128x128xf32, #tpu.memory_space<vmem>> -> memref<1x128x128xf32, #tpu.memory_space<vmem>>
    %dma_wait3A_564 = tpu.memref_squeeze %dma_wait3A_563 : memref<1x128x128xf32, #tpu.memory_space<vmem>> -> memref<128x128xf32, #tpu.memory_space<vmem>>
    %dma_wait3A_565 = arith.constant 0 : i32
    %dma_wait3A_566 = tpu.memref_slice %arg4[%add3A_481, %dma_wait3A_565] : memref<45056x128xf32, #tpu.memory_space<hbm>> -> memref<128x128xf32, #tpu.memory_space<hbm>>
    %dma_wait3A_567 = arith.constant 0 : i32
    %dma_wait3A_568 = tpu.memref_slice %arg4[%add3A_481, %dma_wait3A_567] : memref<45056x128xf32, #tpu.memory_space<hbm>> -> memref<128x128xf32, #tpu.memory_space<hbm>>
    %dma_wait3A_569 = arith.constant 0 : i32
    %dma_wait3A_570 = arith.constant 0 : i32
    %dma_wait3A_571 = tpu.memref_slice %arg6[%dma_wait3A_560, %dma_wait3A_569, %dma_wait3A_570] : memref<6x128x128xf32, #tpu.memory_space<vmem>> -> memref<1x128x128xf32, #tpu.memory_space<vmem>>
    %dma_wait3A_572 = tpu.memref_squeeze %dma_wait3A_571 : memref<1x128x128xf32, #tpu.memory_space<vmem>> -> memref<128x128xf32, #tpu.memory_space<vmem>>
    tpu.wait_dma2 semaphore(%arg8 : memref<!tpu.dma_semaphore, #tpu.memory_space<semaphore_mem>>) src(%dma_wait3A_572 : memref<128x128xf32, #tpu.memory_space<vmem>>) dst(%dma_wait3A_568 : memref<128x128xf32, #tpu.memory_space<hbm>>)
    return
  }
}

module attributes {stable_mosaic.version = 14 : i64} {
  func.func @_ls_body(%arg0: i32, %arg1: memref<22320x66xf32, #tpu.memory_space<vmem>>, %arg2: memref<22320x128xf32, #tpu.memory_space<vmem>>) attributes {dimension_semantics = [#tpu.dimension_semantics<arbitrary>], iteration_bounds = array<i64: 2>, scalar_prefetch = 0 : i64, scratch_operands = 0 : i64, tpu.core_type = #tpu.core_type<tc>, window_params = [{transform_indices = @transform_0, window_bounds = array<i64: 22320, 66>}, {transform_indices = @transform_1, window_bounds = array<i64: 22320, 128>}]} {
    %get3A = arith.constant 0 : index
    %get3A_0 = arith.constant 0 : index
    %get3A_1 = vector.load %arg1[%get3A, %get3A_0] : memref<22320x66xf32, #tpu.memory_space<vmem>>, vector<22320x66xf32>
    %div3A = arith.constant 1.000000e+00 : f32
    %div3A_2 = vector.broadcast %div3A : f32 to vector<22320x66xf32>
    %div3A_3 = arith.divf %get3A_1, %div3A_2 : vector<22320x66xf32>
    %neg3A = arith.constant 0.000000e+00 : f32
    %neg3A_4 = vector.broadcast %neg3A : f32 to vector<22320x66xf32>
    %neg3A_5 = arith.subf %neg3A_4, %div3A_3 : vector<22320x66xf32>
    %custom_jvp_call3A = arith.constant 0.000000e+00 : f32
    %max3A = vector.broadcast %custom_jvp_call3A : f32 to vector<22320x66xf32>
    %max3A_6 = arith.maximumf %neg3A_5, %max3A : vector<22320x66xf32>
    %sub3A = vector.broadcast %custom_jvp_call3A : f32 to vector<22320x66xf32>
    %sub3A_7 = arith.subf %neg3A_5, %sub3A : vector<22320x66xf32>
    %ne3A = arith.cmpf one, %sub3A_7, %sub3A_7 : vector<22320x66xf32>
    %add3A = vector.broadcast %custom_jvp_call3A : f32 to vector<22320x66xf32>
    %add3A_8 = arith.addf %neg3A_5, %add3A : vector<22320x66xf32>
    %abs3A = math.absf %sub3A_7 : vector<22320x66xf32>
    %neg3A_9 = arith.constant 0.000000e+00 : f32
    %neg3A_10 = vector.broadcast %neg3A_9 : f32 to vector<22320x66xf32>
    %neg3A_11 = arith.subf %neg3A_10, %abs3A : vector<22320x66xf32>
    %exp3A = math.exp %neg3A_11 : vector<22320x66xf32>
    %log1p3A = math.log1p %exp3A : vector<22320x66xf32>
    %add3A_12 = arith.addf %max3A_6, %log1p3A : vector<22320x66xf32>
    %select_n3A = arith.select %ne3A, %add3A_8, %add3A_12 : vector<22320x66xi1>, vector<22320x66xf32>
    %neg3A_13 = arith.constant 0.000000e+00 : f32
    %neg3A_14 = vector.broadcast %neg3A_13 : f32 to vector<22320x66xf32>
    %neg3A_15 = arith.subf %neg3A_14, %select_n3A : vector<22320x66xf32>
    %broadcast_in_dim3A = arith.constant 0.000000e+00 : f32
    %broadcast_in_dim3A_16 = vector.broadcast %broadcast_in_dim3A : f32 to vector<22320x62xf32>
    %concatenate3A = tpu.concatenate %neg3A_15, %broadcast_in_dim3A_16 in 1 : vector<22320x66xf32>, vector<22320x62xf32> -> vector<22320x128xf32>
    %swap3A = arith.constant 0 : index
    %swap3A_17 = arith.constant 0 : index
    %swap3A_18 = vector.load %arg2[%swap3A, %swap3A_17] : memref<22320x128xf32, #tpu.memory_space<vmem>>, vector<22320x128xf32>
    tpu.vector_store %arg2[%swap3A, %swap3A_17], %concatenate3A {strides = array<i32>} : memref<22320x128xf32, #tpu.memory_space<vmem>>, vector<22320x128xf32>,
    return
  }
  func.func @transform_0(%arg0: i32) -> (i32, i32) {
    %c0_i32 = arith.constant 0 : i32
    %c0_i32_0 = arith.constant 0 : i32
    return %arg0, %c0_i32 : i32, i32
  }
  func.func @transform_1(%arg0: i32) -> (i32, i32) {
    %c0_i32 = arith.constant 0 : i32
    %c0_i32_0 = arith.constant 0 : i32
    return %arg0, %c0_i32 : i32, i32
  }
}

module attributes {stable_mosaic.version = 14 : i64} {
  func.func @_loss_body(%arg0: i32, %arg1: memref<8928x128xf32, #tpu.memory_space<vmem>>, %arg2: memref<8928x128xf32, #tpu.memory_space<vmem>>, %arg3: memref<8x128xi32, #tpu.memory_space<vmem>>, %arg4: memref<8x128xf32, #tpu.memory_space<vmem>>, %arg5: memref<1x1xf32, #tpu.memory_space<smem>>) attributes {dimension_semantics = [#tpu.dimension_semantics<arbitrary>], iteration_bounds = array<i64: 5>, scalar_prefetch = 0 : i64, scratch_operands = 0 : i64, tpu.core_type = #tpu.core_type<tc>, window_params = [{transform_indices = @transform_0, window_bounds = array<i64: 8928, 128>}, {transform_indices = @transform_1, window_bounds = array<i64: 8928, 128>}, {pipeline_mode = #tpu.pipeline_mode<synchronous>, transform_indices = @transform_2, window_bounds = array<i64: 8, 128>}, {pipeline_mode = #tpu.pipeline_mode<synchronous>, transform_indices = @transform_3, window_bounds = array<i64: 8, 128>}, {transform_indices = @transform_4, window_bounds = array<i64: 1, 1>}]} {
    %get3A = arith.constant 0 : index
    %get3A_0 = arith.constant 0 : index
    %get3A_1 = vector.load %arg1[%get3A, %get3A_0] : memref<8928x128xf32, #tpu.memory_space<vmem>>, vector<8928x128xf32>
    %convert_element_type3A = arith.truncf %get3A_1 : vector<8928x128xf32> to vector<8928x128xbf16>
    %get3A_2 = arith.constant 0 : index
    %get3A_3 = arith.constant 0 : index
    %get3A_4 = vector.load %arg2[%get3A_2, %get3A_3] : memref<8928x128xf32, #tpu.memory_space<vmem>>, vector<8928x128xf32>
    %convert_element_type3A_5 = arith.truncf %get3A_4 : vector<8928x128xf32> to vector<8928x128xbf16>
    %get3A_6 = arith.constant 0 : index
    %get3A_7 = arith.constant 0 : index
    %get3A_8 = vector.load %arg3[%get3A_6, %get3A_7] : memref<8x128xi32, #tpu.memory_space<vmem>>, vector<1x128xi32>
    %get3A_9 = arith.constant 1 : index
    %get3A_10 = arith.constant 0 : index
    %get3A_11 = vector.load %arg3[%get3A_9, %get3A_10] : memref<8x128xi32, #tpu.memory_space<vmem>>, vector<1x128xi32>
    %iota3A = tpu.iota {dimensions = array<i32: 0>} : vector<128x128xi32>
    %lt3A = arith.constant 66 : i32
    %lt3A_12 = vector.broadcast %lt3A : i32 to vector<128x128xi32>
    %lt3A_13 = arith.cmpi slt, %iota3A, %lt3A_12 : vector<128x128xi32>
    %eq3A = vector.broadcast %get3A_8 : vector<1x128xi32> to vector<128x128xi32>
    %eq3A_14 = arith.cmpi eq, %iota3A, %eq3A : vector<128x128xi32>
    %and3A = arith.andi %lt3A_13, %eq3A_14 : vector<128x128xi1>
    %convert_element_type3A_15 = arith.extui %and3A : vector<128x128xi1> to vector<128x128xi32>
    %convert_element_type3A_16 = arith.sitofp %convert_element_type3A_15 : vector<128x128xi32> to vector<128x128xf32>
    %convert_element_type3A_17 = arith.truncf %convert_element_type3A_16 : vector<128x128xf32> to vector<128x128xbf16>
    %eq3A_18 = vector.broadcast %get3A_11 : vector<1x128xi32> to vector<128x128xi32>
    %eq3A_19 = arith.cmpi eq, %iota3A, %eq3A_18 : vector<128x128xi32>
    %and3A_20 = arith.andi %lt3A_13, %eq3A_19 : vector<128x128xi1>
    %convert_element_type3A_21 = arith.extui %and3A_20 : vector<128x128xi1> to vector<128x128xi32>
    %convert_element_type3A_22 = arith.sitofp %convert_element_type3A_21 : vector<128x128xi32> to vector<128x128xf32>
    %convert_element_type3A_23 = arith.truncf %convert_element_type3A_22 : vector<128x128xf32> to vector<128x128xbf16>
    %sub3A = arith.subf %convert_element_type3A_17, %convert_element_type3A_23 : vector<128x128xbf16>
    %ge3A = arith.constant 1 : i32
    %ge3A_24 = vector.broadcast %ge3A : i32 to vector<128x128xi32>
    %ge3A_25 = arith.cmpi sge, %iota3A, %ge3A_24 : vector<128x128xi32>
    %lt3A_26 = arith.constant 66 : i32
    %lt3A_27 = vector.broadcast %lt3A_26 : i32 to vector<128x128xi32>
    %lt3A_28 = arith.cmpi slt, %iota3A, %lt3A_27 : vector<128x128xi32>
    %and3A_29 = arith.andi %ge3A_25, %lt3A_28 : vector<128x128xi1>
    %add3A = arith.constant 65 : i32
    %add3A_30 = vector.broadcast %add3A : i32 to vector<128x128xi32>
    %add3A_31 = arith.addi %iota3A, %add3A_30 : vector<128x128xi32>
    %eq3A_32 = vector.broadcast %get3A_8 : vector<1x128xi32> to vector<128x128xi32>
    %eq3A_33 = arith.cmpi eq, %add3A_31, %eq3A_32 : vector<128x128xi32>
    %and3A_34 = arith.andi %and3A_29, %eq3A_33 : vector<128x128xi1>
    %convert_element_type3A_35 = arith.extui %and3A_34 : vector<128x128xi1> to vector<128x128xi32>
    %convert_element_type3A_36 = arith.sitofp %convert_element_type3A_35 : vector<128x128xi32> to vector<128x128xf32>
    %convert_element_type3A_37 = arith.truncf %convert_element_type3A_36 : vector<128x128xf32> to vector<128x128xbf16>
    %add3A_38 = arith.constant 65 : i32
    %add3A_39 = vector.broadcast %add3A_38 : i32 to vector<128x128xi32>
    %add3A_40 = arith.addi %iota3A, %add3A_39 : vector<128x128xi32>
    %eq3A_41 = vector.broadcast %get3A_11 : vector<1x128xi32> to vector<128x128xi32>
    %eq3A_42 = arith.cmpi eq, %add3A_40, %eq3A_41 : vector<128x128xi32>
    %and3A_43 = arith.andi %and3A_29, %eq3A_42 : vector<128x128xi1>
    %convert_element_type3A_44 = arith.extui %and3A_43 : vector<128x128xi1> to vector<128x128xi32>
    %convert_element_type3A_45 = arith.sitofp %convert_element_type3A_44 : vector<128x128xi32> to vector<128x128xf32>
    %convert_element_type3A_46 = arith.truncf %convert_element_type3A_45 : vector<128x128xf32> to vector<128x128xbf16>
    %sub3A_47 = arith.subf %convert_element_type3A_37, %convert_element_type3A_46 : vector<128x128xbf16>
    %dot_general3A = arith.constant dense<0.000000e+00> : vector<8928x128xf32>
    %dot_general3A_48 = tpu.matmul %convert_element_type3A, %sub3A, %dot_general3A {dimension_numbers = #tpu.dot_dimension_numbers<[1], [0], [0], [1], [0, 0, 1, 1], [], []>, transpose_lhs_hint = false} : vector<8928x128xbf16>, vector<128x128xbf16>, vector<8928x128xf32> -> vector<8928x128xf32>
    %dot_general3A_49 = arith.constant dense<0.000000e+00> : vector<8928x128xf32>
    %dot_general3A_50 = tpu.matmul %convert_element_type3A_5, %sub3A_47, %dot_general3A_49 {dimension_numbers = #tpu.dot_dimension_numbers<[1], [0], [0], [1], [0, 0, 1, 1], [], []>, transpose_lhs_hint = false} : vector<8928x128xbf16>, vector<128x128xbf16>, vector<8928x128xf32> -> vector<8928x128xf32>
    %add3A_51 = arith.addf %dot_general3A_48, %dot_general3A_50 : vector<8928x128xf32>
    %get3A_52 = arith.constant 0 : index
    %get3A_53 = arith.constant 0 : index
    %get3A_54 = vector.load %arg4[%get3A_52, %get3A_53] : memref<8x128xf32, #tpu.memory_space<vmem>>, vector<1x128xf32>
    %log3A = math.log %get3A_54 : vector<1x128xf32>
    %sub3A_55 = arith.constant 5.000000e-02 : f32
    %sub3A_56 = vector.broadcast %sub3A_55 : f32 to vector<1x128xf32>
    %sub3A_57 = arith.subf %log3A, %sub3A_56 : vector<1x128xf32>
    %add3A_58 = vector.broadcast %sub3A_57 : vector<1x128xf32> to vector<8928x128xf32>
    %add3A_59 = arith.addf %add3A_51, %add3A_58 : vector<8928x128xf32>
    %max3A = arith.constant 0.000000e+00 : f32
    %max3A_60 = vector.broadcast %max3A : f32 to vector<8928x128xf32>
    %max3A_61 = arith.maximumf %add3A_59, %max3A_60 : vector<8928x128xf32>
    %eq3A_62 = arith.constant 0 : i32
    %eq3A_63 = arith.cmpi eq, %arg0, %eq3A_62 : i32
    %convert_element_type3A_64 = arith.extui %eq3A_63 : i1 to i32
    %cond3A = arith.constant 0 : i32
    %cond3A_65 = arith.cmpi ne, %convert_element_type3A_64, %cond3A : i32
    scf.if %cond3A_65 {
      %swap3A_77 = arith.constant 0.000000e+00 : f32
      %swap3A_78 = arith.constant 0 : index
      %swap3A_79 = arith.constant 0 : index
      %swap3A_80 = memref.load %arg5[%swap3A_78, %swap3A_79] : memref<1x1xf32, #tpu.memory_space<smem>>
      memref.store %swap3A_77, %arg5[%swap3A_78, %swap3A_79] : memref<1x1xf32, #tpu.memory_space<smem>>
    } else {
    }
    %get3A_66 = arith.constant 0 : index
    %get3A_67 = arith.constant 0 : index
    %get3A_68 = memref.load %arg5[%get3A_66, %get3A_67] : memref<1x1xf32, #tpu.memory_space<smem>>
    %reduce_sum3A = vector.shape_cast %max3A_61 : vector<8928x128xf32> to vector<1x8928x128xf32>
    %reduce_sum3A_69 = arith.constant dense<0.000000e+00> : vector<1xf32>
    %reduce_sum3A_70 = vector.multi_reduction <add>, %reduce_sum3A, %reduce_sum3A_69 [1, 2] : vector<1x8928x128xf32> to vector<1xf32>
    %reduce_sum3A_71 = vector.shape_cast %reduce_sum3A_70 : vector<1xf32> to vector<1x1x1xf32>
    %reduce_sum3A_72 = vector.extract %reduce_sum3A_71[0, 0, 0] : f32 from vector<1x1x1xf32>
    %div3A = arith.constant 4.464000e+04 : f32
    %div3A_73 = arith.divf %reduce_sum3A_72, %div3A : f32
    %add3A_74 = arith.addf %get3A_68, %div3A_73 : f32
    %swap3A = arith.constant 0 : index
    %swap3A_75 = arith.constant 0 : index
    %swap3A_76 = memref.load %arg5[%swap3A, %swap3A_75] : memref<1x1xf32, #tpu.memory_space<smem>>
    memref.store %add3A_74, %arg5[%swap3A, %swap3A_75] : memref<1x1xf32, #tpu.memory_space<smem>>
    return
  }
  func.func @transform_0(%arg0: i32) -> (i32, i32) {
    %c0_i32 = arith.constant 0 : i32
    %c0_i32_0 = arith.constant 0 : i32
    return %arg0, %c0_i32 : i32, i32
  }
  func.func @transform_1(%arg0: i32) -> (i32, i32) {
    %c0_i32 = arith.constant 0 : i32
    %c0_i32_0 = arith.constant 0 : i32
    return %arg0, %c0_i32 : i32, i32
  }
  func.func @transform_2(%arg0: i32) -> (i32, i32) {
    %c0_i32 = arith.constant 0 : i32
    %c0_i32_0 = arith.constant 0 : i32
    %c0_i32_1 = arith.constant 0 : i32
    return %c0_i32, %c0_i32_0 : i32, i32
  }
  func.func @transform_3(%arg0: i32) -> (i32, i32) {
    %c0_i32 = arith.constant 0 : i32
    %c0_i32_0 = arith.constant 0 : i32
    %c0_i32_1 = arith.constant 0 : i32
    return %c0_i32, %c0_i32_0 : i32, i32
  }
  func.func @transform_4(%arg0: i32) -> (i32, i32) {
    %c0_i32 = arith.constant 0 : i32
    %c0_i32_0 = arith.constant 0 : i32
    %c0_i32_1 = arith.constant 0 : i32
    return %c0_i32, %c0_i32_0 : i32, i32
  }
}

</mosaic_0001>

<sc_bundles>
// kernel: kernel.5.cloned.1.call-start
scs
__scs_entry_jumppad:
0x0: {  	(pc) =	sbr.rel $0x88, $3  }
0x1: {  	(tag) =	ssettag $0x0;
	lr =	simm.s32 $0x1  }
0x2: {  	[smem:$0x3F9D] =	sst lr;
	_ =	strace $0xD0000000  }
0x3: {  	_ = 	snop  }
0x4: {  	_ = 	snop  }
0x5: {  	_ = 	snop  }
0x6: {  	_ = 	snop  }
0x7: {  	_ = 	snop  }
__scs_overlays_trampoline_lowered:
0x8: {  	[smem:$0x3FAC] =	sst s0  }
0x9: {  	[smem:$0x3FAD] =	sst s1  }
0xa: {  	[smem:$0x3FAE] =	sst s2  }
0xb: {  	[smem:$0x3FAF] =	sst s3  }
0xc: {  	[smem:$0x3FB0] =	sst s4  }
0xd: {  	[smem:$0x3FB1] =	sst s5  }
0xe: {  	[smem:$0x3FB2] =	sst s6  }
0xf: {  	[smem:$0x3FB3] =	sst s7  }
0x10: {  	[smem:$0x3FB4] =	sst s8  }
0x11: {  	[smem:$0x3FB5] =	sst s9;
	s0 =	simm.s32 @!p0 $0x0  }
0x12: {  	s1 =	sld [smem:$0x3F9B];
	s0 =	simm.s32 @p0 $0x1  }
0x13: {  	[smem:$0x3FB6] =	sst s0;
	s0 =	simm.s32 @!p1 $0x0  }
0x14: {  	s2 =	sld [smem:$0x3F9A];
	s0 =	simm.s32 @p1 $0x1  }
0x15: {  	[smem:$0x3FB7] =	sst s0;
	s0 =	simm.s32 @!p2 $0x0  }
0x16: {  	s3 =	sld [smem:$0x3FDB];
	s0 =	simm.s32 @p2 $0x1  }
0x17: {  	s4 =	simm.s32 $0x1BF5;
	[smem:$0x3FB9] =	sst s0  }
0x18: {  	s0 =	sld [smem:$0x3F9C];
	_ =	swait.ge [sflag:s4], $0x0  }
0x19: {  	s7 =	sld [smem:$0x3F9D]  }
0x1a: {  	s8 =	sadd.s32 $0xFFFFE003, lr  }
0x1b: {  	s9 =	sadd.s32 $0xFFFFFEF7, lr;
	s5 =	simm.s32 $0xFFFFFFFF;
	p2 =	slt.u32 s8, $0xFFFFF086  }
0x1c: {  	p1 =	slt.u32 s9, $0xF7A;
	s5 =	simm.s32 @!p2 $0x0  }
0x1d: {  	s5 =	simm.s32 @p1 $0x1;
	p0 =	seq.s32 s7, s2  }
0x1e: {  	s7 =	smul.u32 @!p0 $0xF7A, s2;
	p2 =	seq.s32 @!p0 s5, $0x0  }
0x1f: {  	s9 =	smul.u32 $0xF7A, s1;
	s8 =	simm.s32 @!p0 $0x1BF5;
	p2 =	por !p2, p0  }
0x20: {  	[sflag:s8] =	ssyncset.s32 @!p0 $0xFFFFF086;
	s6 =	sadd.s32 @!p0 s3, s7;
	s7 =	simm.s32 @!p0 $0x108  }
0x21: {  	s3 =	sadd.s32 s3, s9;
	s6 =	sadd.s32 @!p0 $0x88, s6;
	s7 =	simm.s32 @p2 $0x1082  }
0x22: {  	[simem:s7], [sflag:s8] =	dma.local @!p0 [hbm:s6], $0xF7A  }
0x23: {  	s9 =	sor.u32 $0xD0000000, s2;
	s6 =	simm.s32 $0x108;
	_ =	swait.ge @!p0 [sflag:s8], $0x0  }
0x24: {  	s3 =	sadd.s32 $0x88, s3;
	s6 =	simm.s32 @!p1 $0x1082;
	[sflag:s4] =	ssyncset.s32 $0xFFFFF086  }
0x25: {  	[simem:s6], [sflag:s4] =	dma.local [hbm:s3], $0xF7A  }
0x26: {  	[smem:$0x3F9D] =	sst s1;
	(tag) =	ssettag s2;
	_ =	strace s9  }
0x27: {  	s1 =	sld [smem:$0x3FAD]  }
0x28: {  	s2 =	sld [smem:$0x3FAE]  }
0x29: {  	s4 =	sld [smem:$0x3FB0]  }
0x2a: {  	p0 =	seq.s32 s5, $0x0;
	s5 =	sld [smem:$0x3FB1]  }
0x2b: {  	s6 =	sld [smem:$0x3FB2]  }
0x2c: {  	s7 =	sld [smem:$0x3FB3]  }
0x2d: {  	s3 =	simm.s32 $0x108;
	s8 =	sld [smem:$0x3FB4]  }
0x2e: {  	s3 =	simm.s32 @!p0 $0x1082;
	s9 =	sld [smem:$0x3FB5]  }
0x2f: {  	lr =	sadd.s32 s0, s3;
	s0 =	sld [smem:$0x3FAC]  }
0x30: {  	s3 =	sld [smem:$0x3FAF]  }
0x31: {  	[smem:$0x3FB8] =	sst s10  }
0x32: {  	s10 =	sld [smem:$0x3FB6];
	_ =	sdelay $0x3  }
0x33: {  	p0 =	seq.s32 s10, $0x1;
	s10 =	sld [smem:$0x3FB8];
	_ =	sdelay $0x3  }
0x34: {  	[smem:$0x3FB8] =	sst s10  }
0x35: {  	s10 =	sld [smem:$0x3FB7];
	_ =	sdelay $0x3  }
0x36: {  	p1 =	seq.s32 s10, $0x1;
	s10 =	sld [smem:$0x3FB8];
	_ =	sdelay $0x3  }
0x37: {  	[smem:$0x3FB8] =	sst s10  }
0x38: {  	s10 =	sld [smem:$0x3FB9]  }
0x39: {  	_ = 	snop;
	(pc) =	sbr.ind lr, $3  }
0x3a: {  	_ = 	snop  }
0x3b: {  	_ = 	snop  }
0x3c: {  	p2 =	seq.s32 s10, $0x1;
	s10 =	sld [smem:$0x3FB8]  }
0x3d: {  	_ =	shalt  }
0x3e: {  	_ =	shalt  }
0x3f: {  	_ =	shalt  }
0x40: {  	_ =	shalt  }
0x41: {  	_ =	shalt  }
0x42: {  	_ =	shalt  }
0x43: {  	_ =	shalt  }
0x44: {  	_ =	shalt  }
0x45: {  	_ =	shalt  }
0x46: {  	_ =	shalt  }
0x47: {  	_ =	shalt  }
0x48: {  	_ =	shalt  }
0x49: {  	_ =	shalt  }
0x4a: {  	_ =	shalt  }
0x4b: {  	_ =	shalt  }
0x4c: {  	_ =	shalt  }
0x4d: {  	_ =	shalt  }
0x4e: {  	_ =	shalt  }
0x4f: {  	_ =	shalt  }
0x50: {  	_ =	shalt  }
0x51: {  	_ =	shalt  }
0x52: {  	_ =	shalt  }
0x53: {  	_ =	shalt  }
0x54: {  	_ =	shalt  }
0x55: {  	_ =	shalt  }
0x56: {  	_ =	shalt  }
0x57: {  	_ =	shalt  }
0x58: {  	_ =	shalt  }
0x59: {  	_ =	shalt  }
0x5a: {  	_ =	shalt  }
0x5b: {  	_ =	shalt  }
0x5c: {  	_ =	shalt  }
0x5d: {  	_ =	shalt  }
0x5e: {  	_ =	shalt  }
0x5f: {  	_ =	shalt  }
0x60: {  	_ =	shalt  }
0x61: {  	_ =	shalt  }
0x62: {  	_ =	shalt  }
0x63: {  	_ =	shalt  }
0x64: {  	_ =	shalt  }
0x65: {  	_ =	shalt  }
0x66: {  	_ =	shalt  }
0x67: {  	_ =	shalt  }
0x68: {  	_ =	shalt  }
0x69: {  	_ =	shalt  }
0x6a: {  	_ =	shalt  }
0x6b: {  	_ =	shalt  }
0x6c: {  	_ =	shalt  }
0x6d: {  	_ =	shalt  }
0x6e: {  	_ =	shalt  }
0x6f: {  	_ =	shalt  }
0x70: {  	_ =	shalt  }
0x71: {  	_ =	shalt  }
0x72: {  	_ =	shalt  }
0x73: {  	_ =	shalt  }
0x74: {  	_ =	shalt  }
0x75: {  	_ =	shalt  }
0x76: {  	_ =	shalt  }
0x77: {  	_ =	shalt  }
0x78: {  	_ =	shalt  }
0x79: {  	_ =	shalt  }
0x7a: {  	_ =	shalt  }
0x7b: {  	_ =	shalt  }
0x7c: {  	_ =	shalt  }
0x7d: {  	_ =	shalt  }
0x7e: {  	_ =	shalt  }
0x7f: {  	_ =	shalt  }
0x80: {  	_ =	shalt  }
0x81: {  	_ =	shalt  }
0x82: {  	_ =	shalt  }
0x83: {  	_ =	shalt  }
0x84: {  	_ =	shalt  }
0x85: {  	_ =	shalt  }
0x86: {  	_ =	shalt  }
0x87: {  	_ =	shalt  }
.Lfunc_end0:
.L_simem_size_0:
called_computation_lowered:
.L_overlay_start_0:
0x88: {  	s2 =	sld [smem:$0x3FD9]  }
0x89: {  	s3 =	sld [smem:$0x3FFE];
	_ =	sdelay $0x1  }
0x8a: {  	s1 =	srdreg.scid  }
0x8b: {  	s0 =	sand.u32 $0x1, s1  }
0x8c: {  	s16 =	sshll.u32 s0, $0xA;
	s2 =	sadd.s32 s3, s2  }
0x8d: {  	s2 =	sadd.s32 s2, s16  }
0x8e: {  	[smem:$0x3FC4] =	sst s2  }
0x8f: {  	_ = 	snop  }
0x90: {  	(tm) =	ssettm $0x1  }
0x91: {  	s17 =	sld [smem:$0x3FFB];
	_ =	sdelay $0x3  }
0x92: {  	_ =	strace s17  }
0x93: {  	s2 =	sld [smem:$0x3FFC];
	_ =	sdelay $0x3  }
0x94: {  	_ =	strace s2  }
0x95: {  	s2 =	sld [smem:$0x3FFD];
	_ =	sdelay $0x3  }
0x96: {  	_ =	strace s2  }
0x97: {  	_ =	strace $0x8FFFFFFF  }
0x98: {  	s18 =	sld [smem:$0x3FDB];
	_ =	sdelay $0x1  }
0x99: {  	s19 =	simm.s32 $_scs_section_size  }
0x9a: {  	s4 =	simm.s32 $_size__tile_overlayer_lowered;
	s5 =	simm.s32 $_tile_overlayer_lowered  }
0x9b: {  	s22 =	simm.s32 $0x1BFF;
	s21 =	sshll.u32 s5, $0x1;
	s2 =	sadd.s32 s19, s18  }
0x9c: {  	s6 =	simm.s32 $0x0;
	s20 =	sshll.u32 s4, $0x1;
	s4 =	sadd.s32 s21, s2  }
0x9d: {  	[timem:s6], [sflag:s22] =	dma.local [hbm:s4], s20  }
0x9e: {  	_ =	swait.ge [sflag:s22], s20  }
0x9f: {  	s3 =	ssub.s32 $0x0, s20;
	[sflag:s22] =	ssyncset.done $0x0  }
0xa0: {  	[sflag:s22] =	ssyncadd.s32 s3;
	_ =	sdelay $0x1  }
0xa1: {  	s23 =	simm.s32 $0x1B8B  }
0xa2: {  	_ =	swait.ge [sflag:s23], $0x1  }
0xa3: {  	[sflag:s23] =	ssyncset.done $0x0  }
0xa4: {  	s25 =	simm.s32 $0x1B8E;
	s24 =	sld [smem:$0x3FFE];
	[sflag:s23] =	ssyncadd.s32 $0xFFFFFFFF  }
0xa5: {  	s26 =	simm.s32 $execute0_lowered;
	[smem:$0x3FD2] =	sst s25  }
0xa6: {  	s4 =	sshll.u32 s26, $0x1;
	_ =	strace $0x80000046;
	[dreg:$0x1] =	wrdreg $0xFFFFFFFF  }
0xa7: {  	s28 =	simm.s32 $_size_execute0_lowered;
	s2 =	sadd.s32 s2, s4;
	[dreg:$0x0] =	wrdreg $0x0  }
0xa8: {  	s4 =	sshll.u32 s28, $0x1;
	[dreg:$0x2] =	wrdreg s2  }
0xa9: {  	[dreg:$0x3] =	wrdreg s4  }
0xaa: {  	[dreg:$0x4] =	wrdreg $0xC0  }
0xab: {  	_ =	task [dreg:s6], $0x5FFFF  }
0xac: {  	[dreg:$0x1] =	wrdreg $0xFFFFFFFF  }
0xad: {  	[dreg:$0x0] =	wrdreg $0x60  }
0xae: {  	[dreg:$0x2] =	wrdreg s24  }
0xaf: {  	[dreg:$0x3] =	wrdreg $0x9  }
0xb0: {  	_ =	task.clear_ibuf [dreg:s6], $0x4FFFF;
	_ =	strace $0x90000046  }
0xb1: {  	s29 =	simm.s32 $0x9;
	_ =	strace $0x80000048  }
0xb2: {  	_ =	swait.ge [sflag:s29], $0x1  }
0xb3: {  	[sflag:s29] =	ssyncadd.s32 $0xFFFFFFFF  }
0xb4: {  	_ =	strace $0x90000048  }
0xb5: {  	_ =	sfence  }
0xb6: {  	s30 =	sld [smem:$0x0];
	_ =	sdelay $0x2  }
0xb7: {  	s31 =	sshll.u32 s1, $0xD;
	s1 =	sshrl.u32 s1, $0x2  }
0xb8: {  	s3 =	sand.u32 $0x4000, s31;
	s1 =	sadd.s32 s1, s30  }
0xb9: {  	s0 =	sor.u32 s3, s0;
	s1 =	sshll.u32 s1, $0x11  }
0xba: {  	s0 =	sor.u32 s1, s0  }
0xbb: {  	s0 =	sadd.s32 $0x8F2B, s0  }
0xbc: {  	[sflag:s0] =	ssyncadd.remote.s32 $0x1  }
0xbd: {  	_ =	sfence.sel $0xFFFF  }
0xbe: {  	[dreg:$0x0] =	wrdreg $0xFFFFFFFF;
	(pc) =	sbr.abs _section_cstart, $3  }
0xbf: {  	[dreg:$0x1] =	wrdreg $0xFFFFFFFF  }
0xc0: {  	_ =	task.clear_ibuf [dreg:s6], $0x2FFFF;
	_ =	strace $0x9FFFFFFF  }
0xc1: {  	(tm) =	ssettm $0x7FFFFFFF  }
tec
execute0_lowered:
.L_overlay_start_1:
0x0: {  	(tag) =	ssettag $0x1  }
0x1: {  	s1 =	srdreg.scid;
	s0 =	stileid.u32  }
0x2: {  	s1 =	sand.u32 $0x1, s1;
	s2 =	sshll.u32 s0, $0x1  }
0x3: {  	s4 =	rddreg [dreg:$0x0];
	s3 =	sor.u32 s1, s2  }
0x4: {  	s2 =	simm.s32 $0x0;
	s5 =	sshll.u32 s3, $0x8;
	s6 =	smul.u32 $0x5800, s3  }
0x5: {  	[smem:$0x7FF] =	sst s2;
	s3 =	smul.u32 $0x2C000, s3;
	s5 =	sadd.s32 s5, s4  }
0x6: {  	s7 =	sadd.s32 $0xB1400, s4;
	_ =	strace $0x80000047;
	s5 =	sadd.s32 $0xAF400, s5  }
0x7: {  	s24 =	sadd.s32 s7, s6;
	s3 =	sshrl.u32 s3, $0x3;
	[dreg:$0x2] =	wrdreg s5  }
0x8: {  	[dreg:$0x3] =	wrdreg s24;
	s31 =	sadd.s32 s7, s3  }
0x9: {  	s3 =	sadd.s32 $0x800, s31;
	s25 =	rddreg [dreg:$0x2]  }
0xa: {  	s26 =	sadd.s32 $0x1000, s31;
	[dreg:$0x4] =	wrdreg s3  }
0xb: {  	[dreg:$0x5] =	wrdreg s26;
	s3 =	simm.s32 $0x3  }
0xc: {  	[tilespmem:s2], [sflag:$0x3] =	stream.linear.gather [hbm4b:s25+s2], $0x580, $0x38;
	[tilespmem:$0x18800] =	vst v63  }
0xd: {  	_ =	swait.ge [sflag:s3], $0x580  }
0xe: {  	s4 =	sadd.s32 $0xE00, s4;
	[sflag:s3] =	ssyncset.done $0x0  }
0xf: {  	s6 =	simm.s32 $0x800;
	s5 =	simm.s32 $0x80;
	[sflag:s3] =	ssyncadd.s32 $0xFFFFFA80  }
0x10: {  	[tilespmem:s6], [sflag:$0x1] =	stream.indirect.gather [hbm4b:s4+s5], $0x80, s2, s5, $0xb8;
	[tilespmem:$0x18800] =	vst v63  }
0x11: {  	s7 =	simm.s32 $0x4800  }
0x12: {  	[tilespmem:s7], [sflag:$0x1] =	stream.indirect.gather [hbm4b:s4+s5], $0x80, s5, s5, $0xb8;
	[tilespmem:$0x18800] =	vst v63  }
0x13: {  	s8 =	simm.s32 $0x100;
	s9 =	simm.s32 $0x8800  }
0x14: {  	[tilespmem:s9], [sflag:$0x1] =	stream.indirect.gather [hbm4b:s4+s5], $0x80, s8, s5, $0xb8;
	[tilespmem:$0x18800] =	vst v63  }
0x15: {  	s10 =	simm.s32 $0x180;
	s11 =	simm.s32 $0xC800;
	s12 =	simm.s32 $0x1  }
0x16: {  	[tilespmem:s11], [sflag:$0x1] =	stream.indirect.gather [hbm4b:s4+s5], $0x80, s10, s5, $0xb8;
	[tilespmem:$0x18800] =	vst v63  }
0x17: {  	_ =	swait.ge [sflag:s12], $0x4000  }
0x18: {  	[sflag:s12] =	ssyncset.done $0x0  }
0x19: {  	s13 =	rddreg [dreg:$0x3];
	[sflag:s12] =	ssyncadd.s32 $0xFFFFC000  }
0x1a: {  	[hbm4b:s13+s2] =	stream.linear.scatter [tilespmem:s6], [sflag:$0x2], $0x4000, $0x38;
	[tilespmem:$0x18800] =	vst v63  }
0x1b: {  	s14 =	simm.s32 $0x10800;
	s13 =	simm.s32 $0x200  }
0x1c: {  	[tilespmem:s14], [sflag:$0x1] =	stream.indirect.gather [hbm4b:s4+s5], $0x80, s13, s5, $0xb8;
	[tilespmem:$0x18800] =	vst v63  }
0x1d: {  	_ =	swait.ge [sflag:s12], $0x4000  }
0x1e: {  	[sflag:s12] =	ssyncset.done $0x0  }
0x1f: {  	s15 =	rddreg [dreg:$0x4];
	[sflag:s12] =	ssyncadd.s32 $0xFFFFC000  }
0x20: {  	[hbm4b:s15+s2] =	stream.linear.scatter [tilespmem:s7], [sflag:$0x2], $0x4000, $0x38;
	[tilespmem:$0x18800] =	vst v63  }
0x21: {  	s16 =	simm.s32 $0x14800;
	s15 =	simm.s32 $0x280  }
0x22: {  	[tilespmem:s16], [sflag:$0x1] =	stream.indirect.gather [hbm4b:s4+s5], $0x80, s15, s5, $0xb8;
	[tilespmem:$0x18800] =	vst v63  }
0x23: {  	_ =	swait.ge [sflag:s12], $0x4000  }
0x24: {  	[sflag:s12] =	ssyncset.done $0x0  }
0x25: {  	s17 =	simm.s32 $0x2;
	s18 =	rddreg [dreg:$0x5];
	[sflag:s12] =	ssyncadd.s32 $0xFFFFC000  }
0x26: {  	[hbm4b:s18+s2] =	stream.linear.scatter [tilespmem:s9], [sflag:$0x2], $0x4000, $0x38;
	[tilespmem:$0x18800] =	vst v63  }
0x27: {  	_ =	swait.ge [sflag:s17], $0x4000  }
0x28: {  	[sflag:s17] =	ssyncset.done $0x0  }
0x29: {  	s18 =	simm.s32 $0x300;
	[sflag:s17] =	ssyncadd.s32 $0xFFFFC000  }
0x2a: {  	[tilespmem:s6], [sflag:$0x1] =	stream.indirect.gather [hbm4b:s4+s5], $0x80, s18, s5, $0xb8;
	[tilespmem:$0x18800] =	vst v63  }
0x2b: {  	_ =	swait.ge [sflag:s12], $0x4000  }
0x2c: {  	[sflag:s12] =	ssyncset.done $0x0  }
0x2d: {  	s19 =	sadd.s32 $0x1800, s31;
	[sflag:s12] =	ssyncadd.s32 $0xFFFFC000  }
0x2e: {  	[hbm4b:s19+s2] =	stream.linear.scatter [tilespmem:s11], [sflag:$0x2], $0x4000, $0x38;
	[tilespmem:$0x18800] =	vst v63  }
0x2f: {  	_ =	swait.ge [sflag:s17], $0x4000  }
0x30: {  	[sflag:s17] =	ssyncset.done $0x0  }
0x31: {  	s20 =	simm.s32 $0x380;
	[sflag:s17] =	ssyncadd.s32 $0xFFFFC000  }
0x32: {  	[tilespmem:s7], [sflag:$0x1] =	stream.indirect.gather [hbm4b:s4+s5], $0x80, s20, s5, $0xb8;
	[tilespmem:$0x18800] =	vst v63  }
0x33: {  	_ =	swait.ge [sflag:s12], $0x4000  }
0x34: {  	[sflag:s12] =	ssyncset.done $0x0  }
0x35: {  	s21 =	sadd.s32 $0x2000, s31;
	[sflag:s12] =	ssyncadd.s32 $0xFFFFC000  }
0x36: {  	[hbm4b:s21+s2] =	stream.linear.scatter [tilespmem:s14], [sflag:$0x2], $0x4000, $0x38;
	[tilespmem:$0x18800] =	vst v63  }
0x37: {  	_ =	swait.ge [sflag:s17], $0x4000  }
0x38: {  	[sflag:s17] =	ssyncset.done $0x0  }
0x39: {  	s22 =	simm.s32 $0x400;
	[sflag:s17] =	ssyncadd.s32 $0xFFFFC000  }
0x3a: {  	[tilespmem:s9], [sflag:$0x1] =	stream.indirect.gather [hbm4b:s4+s5], $0x80, s22, s5, $0xb8;
	[tilespmem:$0x18800] =	vst v63  }
0x3b: {  	_ =	swait.ge [sflag:s12], $0x4000  }
0x3c: {  	[sflag:s12] =	ssyncset.done $0x0  }
0x3d: {  	s23 =	sadd.s32 $0x2800, s31;
	[sflag:s12] =	ssyncadd.s32 $0xFFFFC000  }
0x3e: {  	[hbm4b:s23+s2] =	stream.linear.scatter [tilespmem:s16], [sflag:$0x2], $0x4000, $0x38;
	[tilespmem:$0x18800] =	vst v63  }
0x3f: {  	_ =	swait.ge [sflag:s17], $0x4000  }
0x40: {  	[sflag:s17] =	ssyncset.done $0x0  }
0x41: {  	s24 =	simm.s32 $0x480;
	[sflag:s17] =	ssyncadd.s32 $0xFFFFC000  }
0x42: {  	[tilespmem:s11], [sflag:$0x1] =	stream.indirect.gather [hbm4b:s4+s5], $0x80, s24, s5, $0xb8;
	[tilespmem:$0x18800] =	vst v63  }
0x43: {  	_ =	swait.ge [sflag:s12], $0x4000  }
0x44: {  	[sflag:s12] =	ssyncset.done $0x0  }
0x45: {  	s25 =	sadd.s32 $0x3000, s31;
	[sflag:s12] =	ssyncadd.s32 $0xFFFFC000  }
0x46: {  	[hbm4b:s25+s2] =	stream.linear.scatter [tilespmem:s6], [sflag:$0x2], $0x4000, $0x38;
	[tilespmem:$0x18800] =	vst v63  }
0x47: {  	_ =	swait.ge [sflag:s17], $0x4000  }
0x48: {  	[sflag:s17] =	ssyncset.done $0x0  }
0x49: {  	s26 =	simm.s32 $0x500;
	[sflag:s17] =	ssyncadd.s32 $0xFFFFC000  }
0x4a: {  	[tilespmem:s14], [sflag:$0x1] =	stream.indirect.gather [hbm4b:s4+s5], $0x80, s26, s5, $0xb8;
	[tilespmem:$0x18800] =	vst v63  }
0x4b: {  	_ =	swait.ge [sflag:s12], $0x4000  }
0x4c: {  	[sflag:s12] =	ssyncset.done $0x0  }
0x4d: {  	s28 =	sadd.s32 $0x3800, s31;
	[sflag:s12] =	ssyncadd.s32 $0xFFFFC000  }
0x4e: {  	[hbm4b:s28+s2] =	stream.linear.scatter [tilespmem:s7], [sflag:$0x2], $0x4000, $0x38;
	[tilespmem:$0x18800] =	vst v63  }
0x4f: {  	_ =	swait.ge [sflag:s12], $0x4000  }
0x50: {  	[sflag:s12] =	ssyncset.done $0x0  }
0x51: {  	s29 =	sadd.s32 $0x4000, s31;
	[sflag:s12] =	ssyncadd.s32 $0xFFFFC000  }
0x52: {  	[hbm4b:s29+s2] =	stream.linear.scatter [tilespmem:s9], [sflag:$0x2], $0x4000, $0x38;
	[tilespmem:$0x18800] =	vst v63  }
0x53: {  	_ =	swait.ge [sflag:s12], $0x4000  }
0x54: {  	[sflag:s12] =	ssyncset.done $0x0  }
0x55: {  	s30 =	sadd.s32 $0x4800, s31;
	[sflag:s12] =	ssyncadd.s32 $0xFFFFC000  }
0x56: {  	[hbm4b:s30+s2] =	stream.linear.scatter [tilespmem:s11], [sflag:$0x2], $0x4000, $0x38;
	[tilespmem:$0x18800] =	vst v63  }
0x57: {  	_ =	swait.ge [sflag:s12], $0x4000  }
0x58: {  	[sflag:s12] =	ssyncset.done $0x0  }
0x59: {  	s31 =	sadd.s32 $0x5000, s31;
	[sflag:s12] =	ssyncadd.s32 $0xFFFFC000  }
0x5a: {  	[hbm4b:s31+s2] =	stream.linear.scatter [tilespmem:s14], [sflag:$0x2], $0x4000, $0x38;
	[tilespmem:$0x18800] =	vst v63  }
0x5b: {  	_ =	swait.ge [sflag:s17], $0x4000  }
0x5c: {  	[sflag:s17] =	ssyncset.done $0x0  }
0x5d: {  	[sflag:s17] =	ssyncadd.s32 $0xFFFFC000  }
0x5e: {  	_ =	swait.ge [sflag:s17], $0x4000  }
0x5f: {  	[sflag:s17] =	ssyncset.done $0x0  }
0x60: {  	[sflag:s17] =	ssyncadd.s32 $0xFFFFC000  }
0x61: {  	s1 =	ssub.s32 $0x2, s1;
	_ =	swait.ge [sflag:s17], $0x4000  }
0x62: {  	s0 =	sshrl.u32 s1, $0x1;
	[sflag:s17] =	ssyncset.done $0x0  }
0x63: {  	s0 =	ssub.s32 s1, s0;
	[sflag:s17] =	ssyncadd.s32 $0xFFFFC000  }
0x64: {  	s0 =	smax.u32 s0, $0x1;
	_ =	swait.ge [sflag:s17], $0x4000  }
0x65: {  	p0 =	sne.s32 s0, $0x1;
	[sflag:s17] =	ssyncset.done $0x0  }
.Ltmp0:
0x66: {  	[sflag:s17] =	ssyncadd.s32 $0xFFFFC000;
	(pc) =	sbr.rel @!p0 .LBB2_2-.Ltmp0, $4  }
0x67: {  	_ =	swait.ge [sflag:s17], $0x4000  }
0x68: {  	[sflag:s17] =	ssyncset.done $0x0  }
0x69: {  	[sflag:s17] =	ssyncadd.s32 $0xFFFFC000  }
0x6a: {  	s1 =	sadd.s32 $0xFFFFFFFF, s0;
	_ =	swait.ge [sflag:s17], $0x4000  }
.LBB2_1:
0x6b: {  	[sflag:s17] =	ssyncset.done $0x0  }
0x6c: {  	s0 =	rddreg [dreg:$0x2];
	[sflag:s17] =	ssyncadd.s32 $0xFFFFC000  }
0x6d: {  	[tilespmem:s2], [sflag:$0x3] =	stream.linear.gather [hbm4b:s0+s2], $0x580, $0x38;
	[tilespmem:$0x18800] =	vst v63  }
0x6e: {  	_ =	swait.ge [sflag:s3], $0x580  }
0x6f: {  	[sflag:s3] =	ssyncset.done $0x0  }
0x70: {  	[sflag:s3] =	ssyncadd.s32 $0xFFFFFA80  }
0x71: {  	[tilespmem:s6], [sflag:$0x1] =	stream.indirect.gather [hbm4b:s4+s5], $0x80, s2, s5, $0xb8;
	[tilespmem:$0x18800] =	vst v63  }
0x72: {  	_ = 	snop  }
0x73: {  	[tilespmem:s7], [sflag:$0x1] =	stream.indirect.gather [hbm4b:s4+s5], $0x80, s5, s5, $0xb8;
	[tilespmem:$0x18800] =	vst v63  }
0x74: {  	_ = 	snop  }
0x75: {  	[tilespmem:s9], [sflag:$0x1] =	stream.indirect.gather [hbm4b:s4+s5], $0x80, s8, s5, $0xb8;
	[tilespmem:$0x18800] =	vst v63  }
0x76: {  	_ = 	snop  }
0x77: {  	[tilespmem:s11], [sflag:$0x1] =	stream.indirect.gather [hbm4b:s4+s5], $0x80, s10, s5, $0xb8;
	[tilespmem:$0x18800] =	vst v63  }
0x78: {  	_ =	swait.ge [sflag:s12], $0x4000  }
0x79: {  	[sflag:s12] =	ssyncset.done $0x0  }
0x7a: {  	s0 =	rddreg [dreg:$0x3];
	[sflag:s12] =	ssyncadd.s32 $0xFFFFC000  }
0x7b: {  	[hbm4b:s0+s2] =	stream.linear.scatter [tilespmem:s6], [sflag:$0x2], $0x4000, $0x38;
	[tilespmem:$0x18800] =	vst v63  }
0x7c: {  	_ = 	snop  }
0x7d: {  	[tilespmem:s14], [sflag:$0x1] =	stream.indirect.gather [hbm4b:s4+s5], $0x80, s13, s5, $0xb8;
	[tilespmem:$0x18800] =	vst v63  }
0x7e: {  	_ =	swait.ge [sflag:s12], $0x4000  }
0x7f: {  	[sflag:s12] =	ssyncset.done $0x0  }
0x80: {  	s0 =	rddreg [dreg:$0x4];
	[sflag:s12] =	ssyncadd.s32 $0xFFFFC000  }
0x81: {  	[hbm4b:s0+s2] =	stream.linear.scatter [tilespmem:s7], [sflag:$0x2], $0x4000, $0x38;
	[tilespmem:$0x18800] =	vst v63  }
0x82: {  	_ = 	snop  }
0x83: {  	[tilespmem:s16], [sflag:$0x1] =	stream.indirect.gather [hbm4b:s4+s5], $0x80, s15, s5, $0xb8;
	[tilespmem:$0x18800] =	vst v63  }
0x84: {  	_ =	swait.ge [sflag:s12], $0x4000  }
0x85: {  	[sflag:s12] =	ssyncset.done $0x0  }
0x86: {  	s0 =	rddreg [dreg:$0x5];
	[sflag:s12] =	ssyncadd.s32 $0xFFFFC000  }
0x87: {  	[hbm4b:s0+s2] =	stream.linear.scatter [tilespmem:s9], [sflag:$0x2], $0x4000, $0x38;
	[tilespmem:$0x18800] =	vst v63  }
0x88: {  	_ =	swait.ge [sflag:s17], $0x4000  }
0x89: {  	[sflag:s17] =	ssyncset.done $0x0  }
0x8a: {  	[sflag:s17] =	ssyncadd.s32 $0xFFFFC000  }
0x8b: {  	[tilespmem:s6], [sflag:$0x1] =	stream.indirect.gather [hbm4b:s4+s5], $0x80, s18, s5, $0xb8;
	[tilespmem:$0x18800] =	vst v63  }
0x8c: {  	_ =	swait.ge [sflag:s12], $0x4000  }
0x8d: {  	[sflag:s12] =	ssyncset.done $0x0  }
0x8e: {  	[sflag:s12] =	ssyncadd.s32 $0xFFFFC000  }
0x8f: {  	[hbm4b:s19+s2] =	stream.linear.scatter [tilespmem:s11], [sflag:$0x2], $0x4000, $0x38;
	[tilespmem:$0x18800] =	vst v63  }
0x90: {  	_ =	swait.ge [sflag:s17], $0x4000  }
0x91: {  	[sflag:s17] =	ssyncset.done $0x0  }
0x92: {  	[sflag:s17] =	ssyncadd.s32 $0xFFFFC000  }
0x93: {  	[tilespmem:s7], [sflag:$0x1] =	stream.indirect.gather [hbm4b:s4+s5], $0x80, s20, s5, $0xb8;
	[tilespmem:$0x18800] =	vst v63  }
0x94: {  	_ =	swait.ge [sflag:s12], $0x4000  }
0x95: {  	[sflag:s12] =	ssyncset.done $0x0  }
0x96: {  	[sflag:s12] =	ssyncadd.s32 $0xFFFFC000  }
0x97: {  	[hbm4b:s21+s2] =	stream.linear.scatter [tilespmem:s14], [sflag:$0x2], $0x4000, $0x38;
	[tilespmem:$0x18800] =	vst v63  }
0x98: {  	_ =	swait.ge [sflag:s17], $0x4000  }
0x99: {  	[sflag:s17] =	ssyncset.done $0x0  }
0x9a: {  	[sflag:s17] =	ssyncadd.s32 $0xFFFFC000  }
0x9b: {  	[tilespmem:s9], [sflag:$0x1] =	stream.indirect.gather [hbm4b:s4+s5], $0x80, s22, s5, $0xb8;
	[tilespmem:$0x18800] =	vst v63  }
0x9c: {  	_ =	swait.ge [sflag:s12], $0x4000  }
0x9d: {  	[sflag:s12] =	ssyncset.done $0x0  }
0x9e: {  	[sflag:s12] =	ssyncadd.s32 $0xFFFFC000  }
0x9f: {  	[hbm4b:s23+s2] =	stream.linear.scatter [tilespmem:s16], [sflag:$0x2], $0x4000, $0x38;
	[tilespmem:$0x18800] =	vst v63  }
0xa0: {  	_ =	swait.ge [sflag:s17], $0x4000  }
0xa1: {  	[sflag:s17] =	ssyncset.done $0x0  }
0xa2: {  	[sflag:s17] =	ssyncadd.s32 $0xFFFFC000  }
0xa3: {  	[tilespmem:s11], [sflag:$0x1] =	stream.indirect.gather [hbm4b:s4+s5], $0x80, s24, s5, $0xb8;
	[tilespmem:$0x18800] =	vst v63  }
0xa4: {  	_ =	swait.ge [sflag:s12], $0x4000  }
0xa5: {  	[sflag:s12] =	ssyncset.done $0x0  }
0xa6: {  	[sflag:s12] =	ssyncadd.s32 $0xFFFFC000  }
0xa7: {  	[hbm4b:s25+s2] =	stream.linear.scatter [tilespmem:s6], [sflag:$0x2], $0x4000, $0x38;
	[tilespmem:$0x18800] =	vst v63  }
0xa8: {  	_ =	swait.ge [sflag:s17], $0x4000  }
0xa9: {  	[sflag:s17] =	ssyncset.done $0x0  }
0xaa: {  	[sflag:s17] =	ssyncadd.s32 $0xFFFFC000  }
0xab: {  	[tilespmem:s14], [sflag:$0x1] =	stream.indirect.gather [hbm4b:s4+s5], $0x80, s26, s5, $0xb8;
	[tilespmem:$0x18800] =	vst v63  }
0xac: {  	_ =	swait.ge [sflag:s12], $0x4000  }
0xad: {  	[sflag:s12] =	ssyncset.done $0x0  }
0xae: {  	[sflag:s12] =	ssyncadd.s32 $0xFFFFC000  }
0xaf: {  	[hbm4b:s28+s2] =	stream.linear.scatter [tilespmem:s7], [sflag:$0x2], $0x4000, $0x38;
	[tilespmem:$0x18800] =	vst v63  }
0xb0: {  	_ =	swait.ge [sflag:s12], $0x4000  }
0xb1: {  	[sflag:s12] =	ssyncset.done $0x0  }
0xb2: {  	[sflag:s12] =	ssyncadd.s32 $0xFFFFC000  }
0xb3: {  	[hbm4b:s29+s2] =	stream.linear.scatter [tilespmem:s9], [sflag:$0x2], $0x4000, $0x38;
	[tilespmem:$0x18800] =	vst v63  }
0xb4: {  	_ =	swait.ge [sflag:s12], $0x4000  }
0xb5: {  	[sflag:s12] =	ssyncset.done $0x0  }
0xb6: {  	[sflag:s12] =	ssyncadd.s32 $0xFFFFC000  }
0xb7: {  	[hbm4b:s30+s2] =	stream.linear.scatter [tilespmem:s11], [sflag:$0x2], $0x4000, $0x38;
	[tilespmem:$0x18800] =	vst v63  }
0xb8: {  	_ =	swait.ge [sflag:s12], $0x4000  }
0xb9: {  	[sflag:s12] =	ssyncset.done $0x0  }
0xba: {  	[sflag:s12] =	ssyncadd.s32 $0xFFFFC000  }
0xbb: {  	[hbm4b:s31+s2] =	stream.linear.scatter [tilespmem:s14], [sflag:$0x2], $0x4000, $0x38;
	[tilespmem:$0x18800] =	vst v63  }
0xbc: {  	_ =	swait.ge [sflag:s17], $0x4000  }
0xbd: {  	[sflag:s17] =	ssyncset.done $0x0  }
0xbe: {  	[sflag:s17] =	ssyncadd.s32 $0xFFFFC000  }
0xbf: {  	_ =	swait.ge [sflag:s17], $0x4000  }
0xc0: {  	[sflag:s17] =	ssyncset.done $0x0  }
0xc1: {  	[sflag:s17] =	ssyncadd.s32 $0xFFFFC000  }
0xc2: {  	_ =	swait.ge [sflag:s17], $0x4000  }
0xc3: {  	[sflag:s17] =	ssyncset.done $0x0  }
0xc4: {  	[sflag:s17] =	ssyncadd.s32 $0xFFFFC000  }
0xc5: {  	_ =	swait.ge [sflag:s17], $0x4000  }
0xc6: {  	p0 =	sne.s32 s1, $0x1;
	[sflag:s17] =	ssyncset.done $0x0  }
.Ltmp1:
0xc7: {  	[sflag:s17] =	ssyncadd.s32 $0xFFFFC000;
	(pc) =	sbr.rel @p0 .LBB2_1-.Ltmp1, $4  }
0xc8: {  	_ =	swait.ge [sflag:s17], $0x4000  }
0xc9: {  	[sflag:s17] =	ssyncset.done $0x0  }
0xca: {  	[sflag:s17] =	ssyncadd.s32 $0xFFFFC000  }
0xcb: {  	s1 =	sadd.s32 $0xFFFFFFFF, s1;
	_ =	swait.ge [sflag:s17], $0x4000  }
.LBB2_2:
0xcc: {  	[sflag:s17] =	ssyncset.done $0x0  }
0xcd: {  	[sflag:s17] =	ssyncadd.s32 $0xFFFFC000  }
0xce: {  	_ =	sfence.sel $0x180000  }
0xcf: {  	[bflag:$0x0] =	sbarrier.arrive $0xFFFF  }
0xd0: {  	_ =	strace $0x90000047  }
0xd1: {  	s0 =	stileid.u32;
	[bflag:$0x2] =	sbarrier.arrive $0xFFFF  }
0xd2: {  	p0 =	sne.s32 s0, $0x0;
	s0 =	rddreg [dreg:$0x1]  }
0xd3: {  	s0 =	sadd.s32 @!p0 $0x100000, s0  }
0xd4: {  	[sflag:s0] =	ssyncadd.tile.s32 @!p0 $0x1;
	_ =	shalt  }
.Lfunc_end2:
_tile_overlayer_lowered:
.L_overlay_start_2:
0xd5: {  	(tag) =	ssettag $0x2  }
0xd6: {  	s0 =	rddreg [dreg:$0x0];
	s2 =	stileid.u32  }
0xd7: {  	s1 =	rddreg [dreg:$0x1];
	p0 =	sne.s32 s2, $0x0  }
0xd8: {  	s3 =	rddreg [dreg:$0x2];
	[bflag:$0x3] =	sbarrier.arrive $0xFFFF;
	s2 =	simm.s32 @!p0 $0x1C03  }
0xd9: {  	[timem:s3], [sflag:s2] =	dma.local @!p0 [hbm:s0], s1  }
0xda: {  	s0 =	simm.s32 @!p0 $0x3  }
0xdb: {  	_ =	swait.ge @!p0 [sflag:s0], s1  }
0xdc: {  	s1 =	ssub.s32 @!p0 $0x0, s1;
	[sflag:s0] =	ssyncset.done @!p0 $0x0  }
0xdd: {  	[sflag:s0] =	ssyncadd.s32 @!p0 s1  }
0xde: {  	[bflag:$0x3] =	sbarrier.arrive $0xFFFF  }
0xdf: {  	_ =	shalt  }

</sc_bundles>
